<compile_context>
chip_gen: v7x
topology: tpu7x:2x2x1
jax: 0.10.2.dev20260603
libtpu: 0.0.44.dev20260713+nightly
codegen_flags: <defaults>
</compile_context>

<pallas_src>
import dataclasses

import jax
import jax.numpy as jnp
from jax import lax
from jax.experimental import pallas as pl
from jax.experimental.pallas import tpu as pltpu
from jax.experimental.pallas import tpu_sc as plsc

N_NODES = 10000
D_FEAT = 128
HIDDEN = 32
NUM_LAYERS = 3
N_EDGES = 320000
NUM_GRAPHS = 64
EMB_DIM = HIDDEN * NUM_LAYERS

NC = 2
NS = 16
NW = NC * NS
LANES = 16

PAD_NODES = 10112
CW = 4
TAB = PAD_NODES * CW
ECH = 8192
EPAD = 327680

POOL_PAD = 10240

_sc_mesh = plsc.VectorSubcoreMesh(core_axis_name="c", subcore_axis_name="s")

_sc_params = pltpu.CompilerParams()
if "needs_layout_passes" in pltpu.CompilerParams.__dataclass_fields__:
    _sc_params = dataclasses.replace(_sc_params, needs_layout_passes=False)

_tc_params = pltpu.CompilerParams(vmem_limit_bytes=60 * 1024 * 1024)


def _make_agg_body(cgn, egn):
    ept = EPAD // egn
    nch = ept // ECH
    unroll = 4

    def body(hp_hbm, src_hbm, dst_hbm, out_hbm, utab_v, acc_v, sidx_v,
             didx_v, sem_s0, sem_s1, sem_d0, sem_d1):
        c = lax.axis_index("c")
        s = lax.axis_index("s")
        w = c * NS + s
        cg = w % cgn
        eg = w // cgn
        sem_s = [sem_s0, sem_s1]
        sem_d = [sem_d0, sem_d1]

        planes_u = [utab_v.at[pl.ds(j * PAD_NODES, PAD_NODES)]
                    for j in range(CW)]
        planes_a = [acc_v.at[pl.ds(j * PAD_NODES, PAD_NODES)]
                    for j in range(CW)]

        def copies(k, b):
            base = eg * ept + k * ECH
            return (pltpu.make_async_copy(src_hbm.at[pl.ds(base, ECH)],
                                          sidx_v.at[b], sem_s[b]),
                    pltpu.make_async_copy(dst_hbm.at[pl.ds(base, ECH)],
                                          didx_v.at[b], sem_d[b]))

        def issue(k, b):
            for cp in copies(k, b):
                cp.start()

        def wait(k, b):
            for cp in copies(k, b):
                cp.wait()

        def compute(b):
            @plsc.parallel_loop(0, ECH // LANES, unroll=unroll)
            def _(i):
                sl = pl.ds(i * LANES, LANES)
                sv = sidx_v[b, sl]
                dv = didx_v[b, sl]
                for j in range(CW):
                    vals = plsc.load_gather(planes_u[j], [sv])
                    plsc.addupdate_scatter(planes_a[j], [dv], vals)

        issue(0, 0)
        issue(1, 1)
        pltpu.sync_copy(hp_hbm.at[cg], utab_v)

        seed = jnp.where(eg == 0, jnp.float32(1.0), jnp.float32(0.0))

        @plsc.parallel_loop(0, TAB // LANES, unroll=4)
        def _(i):
            sl = pl.ds(i * LANES, LANES)
            acc_v[sl] = utab_v[sl] * seed

        @pl.loop(0, nch, step=2)
        def _(k):
            wait(k, 0)
            compute(0)

            @pl.when(k + 2 < nch)
            def _():
                issue(k + 2, 0)

            wait(k + 1, 1)
            compute(1)

            @pl.when(k + 3 < nch)
            def _():
                issue(k + 3, 1)

        pltpu.sync_copy(acc_v, out_hbm.at[w])

    return body


def _make_sc_agg(cgn, egn):
    return pl.kernel(
        _make_agg_body(cgn, egn),
        out_type=jax.ShapeDtypeStruct((NW, TAB), jnp.float32),
        mesh=_sc_mesh,
        scratch_types=[
            pltpu.VMEM((TAB,), jnp.float32),
            pltpu.VMEM((TAB,), jnp.float32),
            pltpu.VMEM((2, ECH), jnp.int32),
            pltpu.VMEM((2, ECH), jnp.int32),
            pltpu.SemaphoreType.DMA,
            pltpu.SemaphoreType.DMA,
            pltpu.SemaphoreType.DMA,
            pltpu.SemaphoreType.DMA,
        ],
        compiler_params=_sc_params,
    )


@jax.jit
def _sc_agg_l1(h_pt, src, dst):
    return _make_sc_agg(32, 1)(h_pt, src, dst)


@jax.jit
def _sc_agg_l23(h_pt, src, dst):
    return _make_sc_agg(8, 4)(h_pt, src, dst)


def _to_planes(h, cgn):
    return h.T.reshape(cgn, CW, PAD_NODES).reshape(cgn, TAB)


def _from_partials(out, cgn, egn):
    return (out.reshape(egn, cgn, CW, PAD_NODES)
            .transpose(0, 3, 1, 2)
            .reshape(egn, PAD_NODES, cgn * CW))


def _layer_kernel(m_ref, w1_ref, b1_ref, w2_ref, b2_ref, g_ref, bb_ref,
                  h_ref):
    m = m_ref[0]
    for e in range(1, m_ref.shape[0]):
        m = m + m_ref[e]
    pre = jnp.dot(m, w1_ref[...], preferred_element_type=jnp.float32) \
        + b1_ref[...]
    t = jnp.maximum(pre, 0.0)
    mm = jnp.dot(t, w2_ref[...], preferred_element_type=jnp.float32)
    mm = jnp.maximum(mm + b2_ref[...], 0.0)
    valid = lax.broadcasted_iota(jnp.int32, mm.shape, 0) < N_NODES
    mm = jnp.where(valid, mm, 0.0)
    mean = jnp.sum(mm, axis=0, keepdims=True) * (1.0 / N_NODES)
    d = jnp.where(valid, mm - mean, 0.0)
    var = jnp.sum(d * d, axis=0, keepdims=True) * (1.0 / N_NODES)
    h = d * jax.lax.rsqrt(var + 1e-5) * g_ref[...] + bb_ref[...]
    h_ref[...] = jnp.where(valid, h, 0.0)


@jax.jit
def _tc_layer(m_parts, w1, b1, w2, b2, g, bb):
    n = m_parts.shape[1]
    return pl.pallas_call(
        _layer_kernel,
        out_shape=jax.ShapeDtypeStruct((n, HIDDEN), jnp.float32),
        compiler_params=_tc_params,
    )(m_parts, w1, b1, w2, b2, g, bb)


def _ff_block(h, w1, b1, w2, b2, w3, b3, ws, bs):
    z = jnp.maximum(jnp.dot(h, w1, preferred_element_type=jnp.float32) + b1,
                    0.0)
    z = jnp.maximum(jnp.dot(z, w2, preferred_element_type=jnp.float32) + b2,
                    0.0)
    z = jnp.maximum(jnp.dot(z, w3, preferred_element_type=jnp.float32) + b3,
                    0.0)
    return z + jnp.dot(h, ws, preferred_element_type=jnp.float32) + bs


def _heads_kernel(m_ref, b_ref,
                  lw1, lb1, lw2, lb2, lw3, lb3, lws, lbs,
                  gw1, gb1, gw2, gb2, gw3, gb3, gws, gbs,
                  cw_ref, cb_ref, cl_ref,
                  z_ref, q_ref, g_ref, l_ref):
    gids = lax.broadcasted_iota(jnp.int32, (NUM_GRAPHS, POOL_PAD), 0)
    onehot = jnp.where(gids == b_ref[...], 1.0, 0.0)
    y = jnp.dot(onehot, m_ref[...], preferred_element_type=jnp.float32,
                precision=lax.Precision.HIGHEST)
    g_ref[...] = _ff_block(y, gw1[...], gb1[...], gw2[...], gb2[...],
                           gw3[...], gb3[...], gws[...], gbs[...])
    l_ref[...] = _ff_block(m_ref[...], lw1[...], lb1[...], lw2[...], lb2[...],
                           lw3[...], lb3[...], lws[...], lbs[...])
    z = jnp.dot(y, cw_ref[...], preferred_element_type=jnp.float32) \
        + cb_ref[...]
    z_ref[...] = z
    cl = cl_ref[...]
    diff = z[:, None, :] - cl[None, :, :]
    dist = jnp.sum(diff * diff, axis=2)
    q = 1.0 / (1.0 + dist)
    q_ref[...] = q / jnp.sum(q, axis=1, keepdims=True)


@jax.jit
def _tc_heads(m_p, batch_row, ld, gd, cw, cb, cl):
    n = m_p.shape[0]
    return pl.pallas_call(
        _heads_kernel,
        out_shape=(jax.ShapeDtypeStruct((NUM_GRAPHS, HIDDEN), jnp.float32),
                   jax.ShapeDtypeStruct((NUM_GRAPHS, HIDDEN), jnp.float32),
                   jax.ShapeDtypeStruct((NUM_GRAPHS, EMB_DIM), jnp.float32),
                   jax.ShapeDtypeStruct((n, EMB_DIM), jnp.float32)),
        compiler_params=_tc_params,
    )(m_p, batch_row,
      ld['W1'], ld['b1'].reshape(1, -1), ld['W2'], ld['b2'].reshape(1, -1),
      ld['W3'], ld['b3'].reshape(1, -1), ld['Ws'], ld['bs'].reshape(1, -1),
      gd['W1'], gd['b1'].reshape(1, -1), gd['W2'], gd['b2'].reshape(1, -1),
      gd['W3'], gd['b3'].reshape(1, -1), gd['Ws'], gd['bs'].reshape(1, -1),
      cw, cb.reshape(1, -1), cl)


def kernel(x, edge_index, batch, num_graphs, params):
    del num_graphs
    pad_e = EPAD - N_EDGES
    src = jnp.concatenate(
        [edge_index[0], jnp.full((pad_e,), N_NODES, jnp.int32)])
    dst = jnp.concatenate(
        [edge_index[1], jnp.full((pad_e,), N_NODES, jnp.int32)])
    x_p = jnp.pad(x, ((0, PAD_NODES - N_NODES), (0, 0)))
    batch_p = jnp.concatenate(
        [batch, jnp.full((POOL_PAD - N_NODES,), NUM_GRAPHS, jnp.int32)])

    gin = params['gin']
    h = x_p
    hs = []
    for l in range(NUM_LAYERS):
        cgn, egn = (32, 1) if l == 0 else (8, 4)
        agg_fn = _sc_agg_l1 if l == 0 else _sc_agg_l23
        out = agg_fn(_to_planes(h, cgn), src, dst)
        m_parts = _from_partials(out, cgn, egn)
        p = gin[l]
        h = _tc_layer(m_parts, p['W1'], p['b1'].reshape(1, -1), p['W2'],
                      p['b2'].reshape(1, -1), p['bn_g'].reshape(1, -1),
                      p['bn_b'].reshape(1, -1))
        hs.append(h)

    m_p = jnp.pad(jnp.concatenate([h[:N_NODES] for h in hs], axis=1),
                  ((0, POOL_PAD - N_NODES), (0, 0)))
    z, q, g_enc, l_enc_p = _tc_heads(
        m_p, batch_p.reshape(1, POOL_PAD), params['local_d'],
        params['global_d'], params['cluster_W'], params['cluster_b'],
        params['cluster_layer'])
    return z, q, g_enc, l_enc_p[:N_NODES]

# --- scband reference (transcript-rebuilt; emitter-appended) ---
"""Pipeline reference for scband-info-graph-89361089561365 (READ-ONLY COPY).

The authoritative reference and input builder live on the scoring server;
editing this copy changes nothing except your own understanding.
"""

import jax, jax.numpy as jnp
import numpy as np

N_NODES = 10000
D_FEAT = 128
HIDDEN = 32
NUM_LAYERS = 3
N_EDGES = 320000
NUM_GRAPHS = 64
CLUSTER_EMB = 32
EMB_DIM = HIDDEN * NUM_LAYERS
ALPHA = 1.0  # self.alpha is overwritten to 1.0 at end of __init__


def _glorot(key, shape):
    lim = float(np.sqrt(6.0 / (shape[0] + shape[1])))
    return jax.random.uniform(key, shape, jnp.float32, -lim, lim)


def setup_inputs(seed: int = 0) -> dict:
    key = jax.random.key(seed)
    keys = iter(jax.random.split(key, 64))
    x = jax.random.normal(next(keys), (N_NODES, D_FEAT), jnp.float32)
    edge_index = jax.random.randint(next(keys), (2, N_EDGES), 0, N_NODES, dtype=jnp.int32)
    batch = jnp.sort(jax.random.randint(next(keys), (N_NODES,), 0, NUM_GRAPHS, dtype=jnp.int32))
    params = {}
    gin = []
    in_dim = D_FEAT
    for _ in range(NUM_LAYERS):
        gin.append({
            'W1': _glorot(next(keys), (in_dim, HIDDEN)), 'b1': jnp.zeros((HIDDEN,), jnp.float32),
            'W2': _glorot(next(keys), (HIDDEN, HIDDEN)), 'b2': jnp.zeros((HIDDEN,), jnp.float32),
            'bn_g': jnp.ones((HIDDEN,), jnp.float32), 'bn_b': jnp.zeros((HIDDEN,), jnp.float32),
        })
        in_dim = HIDDEN
    params['gin'] = gin

    def ff_params():
        return {
            'W1': _glorot(next(keys), (EMB_DIM, EMB_DIM)), 'b1': jnp.zeros((EMB_DIM,), jnp.float32),
            'W2': _glorot(next(keys), (EMB_DIM, EMB_DIM)), 'b2': jnp.zeros((EMB_DIM,), jnp.float32),
            'W3': _glorot(next(keys), (EMB_DIM, EMB_DIM)), 'b3': jnp.zeros((EMB_DIM,), jnp.float32),
            'Ws': _glorot(next(keys), (EMB_DIM, EMB_DIM)), 'bs': jnp.zeros((EMB_DIM,), jnp.float32),
        }

    params['local_d'] = ff_params()
    params['global_d'] = ff_params()
    params['cluster_W'] = _glorot(next(keys), (EMB_DIM, CLUSTER_EMB))
    params['cluster_b'] = jnp.zeros((CLUSTER_EMB,), jnp.float32)
    params['cluster_layer'] = _glorot(next(keys), (CLUSTER_EMB, CLUSTER_EMB))
    return {'x': x, 'edge_index': edge_index, 'batch': batch, 'num_graphs': NUM_GRAPHS, 'params': params}


def _bn(h, g, b):
    mean = jnp.mean(h, axis=0)
    var = jnp.var(h, axis=0)
    return (h - mean) / jnp.sqrt(var + 1e-5) * g + b


def _ff(p, h):
    z = jax.nn.relu(h @ p['W1'] + p['b1'])
    z = jax.nn.relu(z @ p['W2'] + p['b2'])
    z = jax.nn.relu(z @ p['W3'] + p['b3'])
    return z + (h @ p['Ws'] + p['bs'])


def _encoder(params, x, edge_index, batch):
    src, dst = edge_index[0], edge_index[1]
    xs = []
    h = x
    for layer in params['gin']:
        # GINConv (eps=0): m = h + sum_{j in N(i)} h_j, then 2-layer MLP
        agg = jnp.zeros_like(h).at[dst].add(h[src])
        m = h + agg
        m = jax.nn.relu(m @ layer['W1'] + layer['b1']) @ layer['W2'] + layer['b2']
        m = jax.nn.relu(m)
        h = _bn(m, layer['bn_g'], layer['bn_b'])
        xs.append(h)
    pooled = [jax.ops.segment_sum(h_i, batch, num_segments=NUM_GRAPHS) for h_i in xs]
    y = jnp.concatenate(pooled, axis=1)
    M = jnp.concatenate(xs, axis=1)
    return y, M


def reference(x, edge_index, batch, num_graphs, params):
    y, M = _encoder(params, x, edge_index, batch)
    g_enc = _ff(params['global_d'], y)
    l_enc = _ff(params['local_d'], M)
    z = y @ params['cluster_W'] + params['cluster_b']
    q = 1.0 / (1.0 + jnp.sum((z[:, None, :] - params['cluster_layer'][None, :, :]) ** 2, axis=2) / ALPHA)
    q = q ** ((ALPHA + 1.0) / 2.0)
    q = (q.T / jnp.sum(q, axis=1)).T
    return (z, q, g_enc, l_enc)

if __name__ == "__main__":
    import jax
    _d = setup_inputs()
    print(jax.jit(kernel)(*tuple(_d.values())))

</pallas_src>

<mosaic_0001>
#map = affine_map<(d0, d1) -> (0, 0)>
#map1 = affine_map<(d0, d1) -> (0)>
module attributes {stable_mosaic.version = 14 : i64} {
  func.func @body(%arg0: i32, %arg1: i32, %arg2: memref<32x40448xf32, #tpu.memory_space<hbm>>, %arg3: memref<327680xi32, #tpu.memory_space<hbm>>, %arg4: memref<327680xi32, #tpu.memory_space<hbm>>, %arg5: memref<32x40448xf32, #tpu.memory_space<hbm>>, %arg6: memref<40448xf32, #tpu.memory_space<vmem>>, %arg7: memref<40448xf32, #tpu.memory_space<vmem>>, %arg8: memref<2x8192xi32, #tpu.memory_space<vmem>>, %arg9: memref<2x8192xi32, #tpu.memory_space<vmem>>, %arg10: memref<!tpu.dma_semaphore, #tpu.memory_space<semaphore_mem>>, %arg11: memref<!tpu.dma_semaphore, #tpu.memory_space<semaphore_mem>>, %arg12: memref<!tpu.dma_semaphore, #tpu.memory_space<semaphore_mem>>, %arg13: memref<!tpu.dma_semaphore, #tpu.memory_space<semaphore_mem>>) attributes {dimension_semantics = [#tpu.dimension_semantics<core_parallel>, #tpu.dimension_semantics<subcore_parallel>], iteration_bounds = array<i64: 2, 16>, scalar_prefetch = 0 : i64, scratch_operands = 8 : i64, tpu.core_type = #tpu.core_type<sc_vector_subcore>, window_params = [{transform_indices = #map}, {transform_indices = #map1}, {transform_indices = #map1}, {transform_indices = #map}]} {
    %mul3A = arith.constant 16 : i32
    %mul3A_0 = arith.muli %arg0, %mul3A : i32
    %add3A = arith.addi %mul3A_0, %arg1 : i32
    %jit3A = arith.constant 32 : i32
    %eq3A = arith.constant 0 : i32
    %eq3A_1 = arith.cmpi eq, %jit3A, %eq3A : i32
    %jit3A_2 = arith.constant 1 : i32
    %select_n3A = arith.select %eq3A_1, %jit3A_2, %jit3A : i32
    %rem3A = arith.remsi %add3A, %select_n3A : i32
    %ne3A = arith.constant 0 : i32
    %ne3A_3 = arith.cmpi ne, %rem3A, %ne3A : i32
    %lt3A = arith.constant 0 : i32
    %lt3A_4 = arith.cmpi slt, %rem3A, %lt3A : i32
    %lt3A_5 = arith.constant 0 : i32
    %lt3A_6 = arith.cmpi slt, %select_n3A, %lt3A_5 : i32
    %ne3A_7 = arith.xori %lt3A_4, %lt3A_6 : i1
    %and3A = arith.andi %ne3A_7, %ne3A_3 : i1
    %add3A_8 = arith.addi %rem3A, %select_n3A : i32
    %select_n3A_9 = arith.select %and3A, %add3A_8, %rem3A : i32
    %jit3A_10 = arith.constant 32 : i32
    %div3A = arith.divsi %add3A, %jit3A_10 : i32
    %sign3A = arith.constant 0 : i32
    %sign3A_11 = arith.cmpi sgt, %add3A, %sign3A : i32
    %sign3A_12 = arith.extui %sign3A_11 : i1 to i32
    %sign3A_13 = arith.constant 0 : i32
    %sign3A_14 = arith.cmpi slt, %add3A, %sign3A_13 : i32
    %sign3A_15 = arith.extui %sign3A_14 : i1 to i32
    %sign3A_16 = arith.subi %sign3A_12, %sign3A_15 : i32
    %sign3A_17 = arith.constant 0 : i32
    %sign3A_18 = arith.cmpi sgt, %jit3A_10, %sign3A_17 : i32
    %sign3A_19 = arith.extui %sign3A_18 : i1 to i32
    %sign3A_20 = arith.constant 0 : i32
    %sign3A_21 = arith.cmpi slt, %jit3A_10, %sign3A_20 : i32
    %sign3A_22 = arith.extui %sign3A_21 : i1 to i32
    %sign3A_23 = arith.subi %sign3A_19, %sign3A_22 : i32
    %ne3A_24 = arith.cmpi ne, %sign3A_16, %sign3A_23 : i32
    %rem3A_25 = arith.remsi %add3A, %jit3A_10 : i32
    %ne3A_26 = arith.constant 0 : i32
    %ne3A_27 = arith.cmpi ne, %rem3A_25, %ne3A_26 : i32
    %and3A_28 = arith.andi %ne3A_24, %ne3A_27 : i1
    %sub3A = arith.constant 1 : i32
    %sub3A_29 = arith.subi %div3A, %sub3A : i32
    %select_n3A_30 = arith.select %and3A_28, %sub3A_29, %div3A : i32
    %mul3A_31 = arith.constant 327680 : i32
    %mul3A_32 = arith.muli %select_n3A_30, %mul3A_31 : i32
    %add3A_33 = arith.constant 0 : i32
    %add3A_34 = arith.addi %mul3A_32, %add3A_33 : i32
    %dma_start3A = arith.constant 0 : i32
    %dma_start3A_35 = arith.constant 0 : i32
    %dma_start3A_36 = tpu.memref_slice %arg8[%dma_start3A, %dma_start3A_35] : memref<2x8192xi32, #tpu.memory_space<vmem>> -> memref<1x8192xi32, #tpu.memory_space<vmem>>
    %dma_start3A_37 = tpu.memref_squeeze %dma_start3A_36 : memref<1x8192xi32, #tpu.memory_space<vmem>> -> memref<8192xi32, #tpu.memory_space<vmem>>
    %dma_start3A_38 = tpu.memref_slice %arg3[%add3A_34] : memref<327680xi32, #tpu.memory_space<hbm>> -> memref<8192xi32, #tpu.memory_space<hbm>>
    %dma_start3A_39 = arith.constant 0 : i32
    %dma_start3A_40 = tpu.memref_slice %arg8[%dma_start3A, %dma_start3A_39] : memref<2x8192xi32, #tpu.memory_space<vmem>> -> memref<1x8192xi32, #tpu.memory_space<vmem>>
    %dma_start3A_41 = tpu.memref_squeeze %dma_start3A_40 : memref<1x8192xi32, #tpu.memory_space<vmem>> -> memref<8192xi32, #tpu.memory_space<vmem>>
    %dma_start3A_42 = tpu.memref_slice %arg3[%add3A_34] : memref<327680xi32, #tpu.memory_space<hbm>> -> memref<8192xi32, #tpu.memory_space<hbm>>
    tpu.enqueue_dma source(%dma_start3A_42 : memref<8192xi32, #tpu.memory_space<hbm>>) target(%dma_start3A_41 : memref<8192xi32, #tpu.memory_space<vmem>>) target_semaphore(%arg10 : memref<!tpu.dma_semaphore, #tpu.memory_space<semaphore_mem>>)
    %dma_start3A_43 = arith.constant 0 : i32
    %dma_start3A_44 = arith.constant 0 : i32
    %dma_start3A_45 = tpu.memref_slice %arg9[%dma_start3A_43, %dma_start3A_44] : memref<2x8192xi32, #tpu.memory_space<vmem>> -> memref<1x8192xi32, #tpu.memory_space<vmem>>
    %dma_start3A_46 = tpu.memref_squeeze %dma_start3A_45 : memref<1x8192xi32, #tpu.memory_space<vmem>> -> memref<8192xi32, #tpu.memory_space<vmem>>
    %dma_start3A_47 = tpu.memref_slice %arg4[%add3A_34] : memref<327680xi32, #tpu.memory_space<hbm>> -> memref<8192xi32, #tpu.memory_space<hbm>>
    %dma_start3A_48 = arith.constant 0 : i32
    %dma_start3A_49 = tpu.memref_slice %arg9[%dma_start3A_43, %dma_start3A_48] : memref<2x8192xi32, #tpu.memory_space<vmem>> -> memref<1x8192xi32, #tpu.memory_space<vmem>>
    %dma_start3A_50 = tpu.memref_squeeze %dma_start3A_49 : memref<1x8192xi32, #tpu.memory_space<vmem>> -> memref<8192xi32, #tpu.memory_space<vmem>>
    %dma_start3A_51 = tpu.memref_slice %arg4[%add3A_34] : memref<327680xi32, #tpu.memory_space<hbm>> -> memref<8192xi32, #tpu.memory_space<hbm>>
    tpu.enqueue_dma source(%dma_start3A_51 : memref<8192xi32, #tpu.memory_space<hbm>>) target(%dma_start3A_50 : memref<8192xi32, #tpu.memory_space<vmem>>) target_semaphore(%arg12 : memref<!tpu.dma_semaphore, #tpu.memory_space<semaphore_mem>>)
    %mul3A_52 = arith.constant 327680 : i32
    %mul3A_53 = arith.muli %select_n3A_30, %mul3A_52 : i32
    %add3A_54 = arith.constant 8192 : i32
    %add3A_55 = arith.addi %mul3A_53, %add3A_54 : i32
    %dma_start3A_56 = arith.constant 1 : i32
    %dma_start3A_57 = arith.constant 0 : i32
    %dma_start3A_58 = tpu.memref_slice %arg8[%dma_start3A_56, %dma_start3A_57] : memref<2x8192xi32, #tpu.memory_space<vmem>> -> memref<1x8192xi32, #tpu.memory_space<vmem>>
    %dma_start3A_59 = tpu.memref_squeeze %dma_start3A_58 : memref<1x8192xi32, #tpu.memory_space<vmem>> -> memref<8192xi32, #tpu.memory_space<vmem>>
    %dma_start3A_60 = tpu.memref_slice %arg3[%add3A_55] : memref<327680xi32, #tpu.memory_space<hbm>> -> memref<8192xi32, #tpu.memory_space<hbm>>
    %dma_start3A_61 = arith.constant 0 : i32
    %dma_start3A_62 = tpu.memref_slice %arg8[%dma_start3A_56, %dma_start3A_61] : memref<2x8192xi32, #tpu.memory_space<vmem>> -> memref<1x8192xi32, #tpu.memory_space<vmem>>
    %dma_start3A_63 = tpu.memref_squeeze %dma_start3A_62 : memref<1x8192xi32, #tpu.memory_space<vmem>> -> memref<8192xi32, #tpu.memory_space<vmem>>
    %dma_start3A_64 = tpu.memref_slice %arg3[%add3A_55] : memref<327680xi32, #tpu.memory_space<hbm>> -> memref<8192xi32, #tpu.memory_space<hbm>>
    tpu.enqueue_dma source(%dma_start3A_64 : memref<8192xi32, #tpu.memory_space<hbm>>) target(%dma_start3A_63 : memref<8192xi32, #tpu.memory_space<vmem>>) target_semaphore(%arg11 : memref<!tpu.dma_semaphore, #tpu.memory_space<semaphore_mem>>)
    %dma_start3A_65 = arith.constant 1 : i32
    %dma_start3A_66 = arith.constant 0 : i32
    %dma_start3A_67 = tpu.memref_slice %arg9[%dma_start3A_65, %dma_start3A_66] : memref<2x8192xi32, #tpu.memory_space<vmem>> -> memref<1x8192xi32, #tpu.memory_space<vmem>>
    %dma_start3A_68 = tpu.memref_squeeze %dma_start3A_67 : memref<1x8192xi32, #tpu.memory_space<vmem>> -> memref<8192xi32, #tpu.memory_space<vmem>>
    %dma_start3A_69 = tpu.memref_slice %arg4[%add3A_55] : memref<327680xi32, #tpu.memory_space<hbm>> -> memref<8192xi32, #tpu.memory_space<hbm>>
    %dma_start3A_70 = arith.constant 0 : i32
    %dma_start3A_71 = tpu.memref_slice %arg9[%dma_start3A_65, %dma_start3A_70] : memref<2x8192xi32, #tpu.memory_space<vmem>> -> memref<1x8192xi32, #tpu.memory_space<vmem>>
    %dma_start3A_72 = tpu.memref_squeeze %dma_start3A_71 : memref<1x8192xi32, #tpu.memory_space<vmem>> -> memref<8192xi32, #tpu.memory_space<vmem>>
    %dma_start3A_73 = tpu.memref_slice %arg4[%add3A_55] : memref<327680xi32, #tpu.memory_space<hbm>> -> memref<8192xi32, #tpu.memory_space<hbm>>
    tpu.enqueue_dma source(%dma_start3A_73 : memref<8192xi32, #tpu.memory_space<hbm>>) target(%dma_start3A_72 : memref<8192xi32, #tpu.memory_space<vmem>>) target_semaphore(%arg13 : memref<!tpu.dma_semaphore, #tpu.memory_space<semaphore_mem>>)
    "tpu.region"() ({
      %run_scoped3A = tpu.sem_alloc : memref<!tpu.dma_semaphore, #tpu.memory_space<semaphore_mem>>
      %dma_start3A_85 = arith.constant 0 : i32
      %dma_start3A_86 = tpu.memref_slice %arg2[%select_n3A_9, %dma_start3A_85] : memref<32x40448xf32, #tpu.memory_space<hbm>> -> memref<1x40448xf32, #tpu.memory_space<hbm>>
      %dma_start3A_87 = tpu.memref_squeeze %dma_start3A_86 : memref<1x40448xf32, #tpu.memory_space<hbm>> -> memref<40448xf32, #tpu.memory_space<hbm>>
      %dma_start3A_88 = arith.constant 0 : i32
      %dma_start3A_89 = tpu.memref_slice %arg2[%select_n3A_9, %dma_start3A_88] : memref<32x40448xf32, #tpu.memory_space<hbm>> -> memref<1x40448xf32, #tpu.memory_space<hbm>>
      %dma_start3A_90 = tpu.memref_squeeze %dma_start3A_89 : memref<1x40448xf32, #tpu.memory_space<hbm>> -> memref<40448xf32, #tpu.memory_space<hbm>>
      tpu.enqueue_dma source(%dma_start3A_90 : memref<40448xf32, #tpu.memory_space<hbm>>) target(%arg6 : memref<40448xf32, #tpu.memory_space<vmem>>) target_semaphore(%run_scoped3A : memref<!tpu.dma_semaphore, #tpu.memory_space<semaphore_mem>>)
      %dma_wait3A = arith.constant 0 : i32
      %dma_wait3A_91 = tpu.memref_slice %arg2[%select_n3A_9, %dma_wait3A] : memref<32x40448xf32, #tpu.memory_space<hbm>> -> memref<1x40448xf32, #tpu.memory_space<hbm>>
      %dma_wait3A_92 = tpu.memref_squeeze %dma_wait3A_91 : memref<1x40448xf32, #tpu.memory_space<hbm>> -> memref<40448xf32, #tpu.memory_space<hbm>>
      %dma_wait3A_93 = arith.constant 0 : i32
      %dma_wait3A_94 = tpu.memref_slice %arg2[%select_n3A_9, %dma_wait3A_93] : memref<32x40448xf32, #tpu.memory_space<hbm>> -> memref<1x40448xf32, #tpu.memory_space<hbm>>
      %dma_wait3A_95 = tpu.memref_squeeze %dma_wait3A_94 : memref<1x40448xf32, #tpu.memory_space<hbm>> -> memref<40448xf32, #tpu.memory_space<hbm>>
      tpu.wait_dma2 semaphore(%run_scoped3A : memref<!tpu.dma_semaphore, #tpu.memory_space<semaphore_mem>>) src(%dma_wait3A_95 : memref<40448xf32, #tpu.memory_space<hbm>>) dst(%arg6 : memref<40448xf32, #tpu.memory_space<vmem>>)
      tpu.yield
    }) : () -> ()
    %eq3A_74 = arith.constant 0 : i32
    %eq3A_75 = arith.cmpi eq, %select_n3A_30, %eq3A_74 : i32
    %jit3A_76 = arith.constant 1.000000e+00 : f32
    %jit3A_77 = arith.constant 0.000000e+00 : f32
    %select_n3A_78 = arith.select %eq3A_75, %jit3A_76, %jit3A_77 : f32
    %parallel_loop3A = arith.constant 0 : i32
    %parallel_loop3A_79 = arith.constant 2528 : i32
    %parallel_loop3A_80 = arith.constant 1 : i32
    scf.for %parallel_loop3A_85 = %parallel_loop3A to %parallel_loop3A_79 step %parallel_loop3A_80  : i32 {
      %parallel_loop3A_86 = arith.constant 16 : i32
      %parallel_loop3A_87 = arith.muli %parallel_loop3A_85, %parallel_loop3A_86 : i32
      %parallel_loop3A_88 = arith.index_cast %parallel_loop3A_87 : i32 to index
      %parallel_loop3A_89 = tpu.vector_load %arg6[%parallel_loop3A_88] {strides = array<i32>} : memref<40448xf32, #tpu.memory_space<vmem>>, vector<16xf32>,
      %parallel_loop3A_90 = vector.broadcast %select_n3A_78 : f32 to vector<16xf32>
      %parallel_loop3A_91 = arith.mulf %parallel_loop3A_89, %parallel_loop3A_90 : vector<16xf32>
      %parallel_loop3A_92 = arith.index_cast %parallel_loop3A_87 : i32 to index
      %parallel_loop3A_93 = tpu.vector_load %arg7[%parallel_loop3A_92] {strides = array<i32>} : memref<40448xf32, #tpu.memory_space<vmem>>, vector<16xf32>,
      tpu.vector_store %arg7[%parallel_loop3A_92], %parallel_loop3A_91 {strides = array<i32>} : memref<40448xf32, #tpu.memory_space<vmem>>, vector<16xf32>,
    } {sc.loop_unroll_factor = 4 : i64, sc.parallel_access}
    %scan3A = arith.constant 0 : i32
    %scan3A_81 = arith.constant 20 : i32
    %scan3A_82 = arith.addi %scan3A, %scan3A_81 : i32
    %scan3A_83 = arith.constant 1 : i32
    scf.for %scan3A_85 = %scan3A to %scan3A_82 step %scan3A_83  : i32 {
      %mul3A_86 = arith.constant 2 : i32
      %mul3A_87 = arith.muli %scan3A_85, %mul3A_86 : i32
      %add3A_88 = arith.constant 0 : i32
      %add3A_89 = arith.addi %add3A_88, %mul3A_87 : i32
      %mul3A_90 = arith.constant 327680 : i32
      %mul3A_91 = arith.muli %select_n3A_30, %mul3A_90 : i32
      %mul3A_92 = arith.constant 8192 : i32
      %mul3A_93 = arith.muli %add3A_89, %mul3A_92 : i32
      %add3A_94 = arith.addi %mul3A_91, %mul3A_93 : i32
      %dma_wait3A = arith.constant 0 : i32
      %dma_wait3A_95 = arith.constant 0 : i32
      %dma_wait3A_96 = tpu.memref_slice %arg8[%dma_wait3A, %dma_wait3A_95] : memref<2x8192xi32, #tpu.memory_space<vmem>> -> memref<1x8192xi32, #tpu.memory_space<vmem>>
      %dma_wait3A_97 = tpu.memref_squeeze %dma_wait3A_96 : memref<1x8192xi32, #tpu.memory_space<vmem>> -> memref<8192xi32, #tpu.memory_space<vmem>>
      %dma_wait3A_98 = tpu.memref_slice %arg3[%add3A_94] : memref<327680xi32, #tpu.memory_space<hbm>> -> memref<8192xi32, #tpu.memory_space<hbm>>
      %dma_wait3A_99 = arith.constant 0 : i32
      %dma_wait3A_100 = tpu.memref_slice %arg8[%dma_wait3A, %dma_wait3A_99] : memref<2x8192xi32, #tpu.memory_space<vmem>> -> memref<1x8192xi32, #tpu.memory_space<vmem>>
      %dma_wait3A_101 = tpu.memref_squeeze %dma_wait3A_100 : memref<1x8192xi32, #tpu.memory_space<vmem>> -> memref<8192xi32, #tpu.memory_space<vmem>>
      %dma_wait3A_102 = tpu.memref_slice %arg3[%add3A_94] : memref<327680xi32, #tpu.memory_space<hbm>> -> memref<8192xi32, #tpu.memory_space<hbm>>
      tpu.wait_dma2 semaphore(%arg10 : memref<!tpu.dma_semaphore, #tpu.memory_space<semaphore_mem>>) src(%dma_wait3A_102 : memref<8192xi32, #tpu.memory_space<hbm>>) dst(%dma_wait3A_101 : memref<8192xi32, #tpu.memory_space<vmem>>)
      %dma_wait3A_103 = arith.constant 0 : i32
      %dma_wait3A_104 = arith.constant 0 : i32
      %dma_wait3A_105 = tpu.memref_slice %arg9[%dma_wait3A_103, %dma_wait3A_104] : memref<2x8192xi32, #tpu.memory_space<vmem>> -> memref<1x8192xi32, #tpu.memory_space<vmem>>
      %dma_wait3A_106 = tpu.memref_squeeze %dma_wait3A_105 : memref<1x8192xi32, #tpu.memory_space<vmem>> -> memref<8192xi32, #tpu.memory_space<vmem>>
      %dma_wait3A_107 = tpu.memref_slice %arg4[%add3A_94] : memref<327680xi32, #tpu.memory_space<hbm>> -> memref<8192xi32, #tpu.memory_space<hbm>>
      %dma_wait3A_108 = arith.constant 0 : i32
      %dma_wait3A_109 = tpu.memref_slice %arg9[%dma_wait3A_103, %dma_wait3A_108] : memref<2x8192xi32, #tpu.memory_space<vmem>> -> memref<1x8192xi32, #tpu.memory_space<vmem>>
      %dma_wait3A_110 = tpu.memref_squeeze %dma_wait3A_109 : memref<1x8192xi32, #tpu.memory_space<vmem>> -> memref<8192xi32, #tpu.memory_space<vmem>>
      %dma_wait3A_111 = tpu.memref_slice %arg4[%add3A_94] : memref<327680xi32, #tpu.memory_space<hbm>> -> memref<8192xi32, #tpu.memory_space<hbm>>
      tpu.wait_dma2 semaphore(%arg12 : memref<!tpu.dma_semaphore, #tpu.memory_space<semaphore_mem>>) src(%dma_wait3A_111 : memref<8192xi32, #tpu.memory_space<hbm>>) dst(%dma_wait3A_110 : memref<8192xi32, #tpu.memory_space<vmem>>)
      %parallel_loop3A_112 = arith.constant 0 : i32
      %parallel_loop3A_113 = arith.constant 512 : i32
      %parallel_loop3A_114 = arith.constant 1 : i32
      scf.for %parallel_loop3A_155 = %parallel_loop3A_112 to %parallel_loop3A_113 step %parallel_loop3A_114  : i32 {
        %parallel_loop3A_156 = arith.constant 16 : i32
        %parallel_loop3A_157 = arith.muli %parallel_loop3A_155, %parallel_loop3A_156 : i32
        %parallel_loop3A_158 = arith.constant 0 : i32
        %parallel_loop3A_159 = arith.index_cast %parallel_loop3A_158 : i32 to index
        %parallel_loop3A_160 = arith.index_cast %parallel_loop3A_157 : i32 to index
        %parallel_loop3A_161 = tpu.vector_load %arg8[%parallel_loop3A_159, %parallel_loop3A_160] {strides = array<i32>} : memref<2x8192xi32, #tpu.memory_space<vmem>>, vector<16xi32>,
        %parallel_loop3A_162 = arith.constant 0 : i32
        %parallel_loop3A_163 = arith.index_cast %parallel_loop3A_162 : i32 to index
        %parallel_loop3A_164 = arith.index_cast %parallel_loop3A_157 : i32 to index
        %parallel_loop3A_165 = tpu.vector_load %arg9[%parallel_loop3A_163, %parallel_loop3A_164] {strides = array<i32>} : memref<2x8192xi32, #tpu.memory_space<vmem>>, vector<16xi32>,
        %parallel_loop3A_166 = arith.constant 0 : i32
        %parallel_loop3A_167 = tpu.memref_slice %arg6[%parallel_loop3A_166] : memref<40448xf32, #tpu.memory_space<vmem>> -> memref<10112xf32, #tpu.memory_space<vmem>>
        %parallel_loop3A_168 = tpu.vector_load_idx %parallel_loop3A_167[%parallel_loop3A_161] : memref<10112xf32, #tpu.memory_space<vmem>>[vector<16xi32>], vector<16xf32>,
        %parallel_loop3A_169 = arith.constant 0 : i32
        %parallel_loop3A_170 = tpu.memref_slice %arg7[%parallel_loop3A_169] : memref<40448xf32, #tpu.memory_space<vmem>> -> memref<10112xf32, #tpu.memory_space<vmem>>
        tpu.vector_store_idx %parallel_loop3A_170[%parallel_loop3A_165], %parallel_loop3A_168 {add = true} : memref<10112xf32, #tpu.memory_space<vmem>>[vector<16xi32>], vector<16xf32>,
        %parallel_loop3A_171 = arith.constant 10112 : i32
        %parallel_loop3A_172 = tpu.memref_slice %arg6[%parallel_loop3A_171] : memref<40448xf32, #tpu.memory_space<vmem>> -> memref<10112xf32, #tpu.memory_space<vmem>>
        %parallel_loop3A_173 = tpu.vector_load_idx %parallel_loop3A_172[%parallel_loop3A_161] : memref<10112xf32, #tpu.memory_space<vmem>>[vector<16xi32>], vector<16xf32>,
        %parallel_loop3A_174 = arith.constant 10112 : i32
        %parallel_loop3A_175 = tpu.memref_slice %arg7[%parallel_loop3A_174] : memref<40448xf32, #tpu.memory_space<vmem>> -> memref<10112xf32, #tpu.memory_space<vmem>>
        tpu.vector_store_idx %parallel_loop3A_175[%parallel_loop3A_165], %parallel_loop3A_173 {add = true} : memref<10112xf32, #tpu.memory_space<vmem>>[vector<16xi32>], vector<16xf32>,
        %parallel_loop3A_176 = arith.constant 20224 : i32
        %parallel_loop3A_177 = tpu.memref_slice %arg6[%parallel_loop3A_176] : memref<40448xf32, #tpu.memory_space<vmem>> -> memref<10112xf32, #tpu.memory_space<vmem>>
        %parallel_loop3A_178 = tpu.vector_load_idx %parallel_loop3A_177[%parallel_loop3A_161] : memref<10112xf32, #tpu.memory_space<vmem>>[vector<16xi32>], vector<16xf32>,
        %parallel_loop3A_179 = arith.constant 20224 : i32
        %parallel_loop3A_180 = tpu.memref_slice %arg7[%parallel_loop3A_179] : memref<40448xf32, #tpu.memory_space<vmem>> -> memref<10112xf32, #tpu.memory_space<vmem>>
        tpu.vector_store_idx %parallel_loop3A_180[%parallel_loop3A_165], %parallel_loop3A_178 {add = true} : memref<10112xf32, #tpu.memory_space<vmem>>[vector<16xi32>], vector<16xf32>,
        %parallel_loop3A_181 = arith.constant 30336 : i32
        %parallel_loop3A_182 = tpu.memref_slice %arg6[%parallel_loop3A_181] : memref<40448xf32, #tpu.memory_space<vmem>> -> memref<10112xf32, #tpu.memory_space<vmem>>
        %parallel_loop3A_183 = tpu.vector_load_idx %parallel_loop3A_182[%parallel_loop3A_161] : memref<10112xf32, #tpu.memory_space<vmem>>[vector<16xi32>], vector<16xf32>,
        %parallel_loop3A_184 = arith.constant 30336 : i32
        %parallel_loop3A_185 = tpu.memref_slice %arg7[%parallel_loop3A_184] : memref<40448xf32, #tpu.memory_space<vmem>> -> memref<10112xf32, #tpu.memory_space<vmem>>
        tpu.vector_store_idx %parallel_loop3A_185[%parallel_loop3A_165], %parallel_loop3A_183 {add = true} : memref<10112xf32, #tpu.memory_space<vmem>>[vector<16xi32>], vector<16xf32>,
      } {sc.loop_unroll_factor = 4 : i64, sc.parallel_access}
      %add3A_115 = arith.constant 2 : i32
      %add3A_116 = arith.addi %add3A_89, %add3A_115 : i32
      %lt3A_117 = arith.constant 40 : i32
      %lt3A_118 = arith.cmpi slt, %add3A_116, %lt3A_117 : i32
      %convert_element_type3A = arith.extui %lt3A_118 : i1 to i32
      %cond3A = arith.constant 0 : i32
      %cond3A_119 = arith.cmpi ne, %convert_element_type3A, %cond3A : i32
      scf.if %cond3A_119 {
        %add3A_155 = arith.constant 2 : i32
        %add3A_156 = arith.addi %add3A_89, %add3A_155 : i32
        %mul3A_157 = arith.constant 327680 : i32
        %mul3A_158 = arith.muli %select_n3A_30, %mul3A_157 : i32
        %mul3A_159 = arith.constant 8192 : i32
        %mul3A_160 = arith.muli %add3A_156, %mul3A_159 : i32
        %add3A_161 = arith.addi %mul3A_158, %mul3A_160 : i32
        %dma_start3A_162 = arith.constant 0 : i32
        %dma_start3A_163 = arith.constant 0 : i32
        %dma_start3A_164 = tpu.memref_slice %arg8[%dma_start3A_162, %dma_start3A_163] : memref<2x8192xi32, #tpu.memory_space<vmem>> -> memref<1x8192xi32, #tpu.memory_space<vmem>>
        %dma_start3A_165 = tpu.memref_squeeze %dma_start3A_164 : memref<1x8192xi32, #tpu.memory_space<vmem>> -> memref<8192xi32, #tpu.memory_space<vmem>>
        %dma_start3A_166 = tpu.memref_slice %arg3[%add3A_161] : memref<327680xi32, #tpu.memory_space<hbm>> -> memref<8192xi32, #tpu.memory_space<hbm>>
        %dma_start3A_167 = arith.constant 0 : i32
        %dma_start3A_168 = tpu.memref_slice %arg8[%dma_start3A_162, %dma_start3A_167] : memref<2x8192xi32, #tpu.memory_space<vmem>> -> memref<1x8192xi32, #tpu.memory_space<vmem>>
        %dma_start3A_169 = tpu.memref_squeeze %dma_start3A_168 : memref<1x8192xi32, #tpu.memory_space<vmem>> -> memref<8192xi32, #tpu.memory_space<vmem>>
        %dma_start3A_170 = tpu.memref_slice %arg3[%add3A_161] : memref<327680xi32, #tpu.memory_space<hbm>> -> memref<8192xi32, #tpu.memory_space<hbm>>
        tpu.enqueue_dma source(%dma_start3A_170 : memref<8192xi32, #tpu.memory_space<hbm>>) target(%dma_start3A_169 : memref<8192xi32, #tpu.memory_space<vmem>>) target_semaphore(%arg10 : memref<!tpu.dma_semaphore, #tpu.memory_space<semaphore_mem>>)
        %dma_start3A_171 = arith.constant 0 : i32
        %dma_start3A_172 = arith.constant 0 : i32
        %dma_start3A_173 = tpu.memref_slice %arg9[%dma_start3A_171, %dma_start3A_172] : memref<2x8192xi32, #tpu.memory_space<vmem>> -> memref<1x8192xi32, #tpu.memory_space<vmem>>
        %dma_start3A_174 = tpu.memref_squeeze %dma_start3A_173 : memref<1x8192xi32, #tpu.memory_space<vmem>> -> memref<8192xi32, #tpu.memory_space<vmem>>
        %dma_start3A_175 = tpu.memref_slice %arg4[%add3A_161] : memref<327680xi32, #tpu.memory_space<hbm>> -> memref<8192xi32, #tpu.memory_space<hbm>>
        %dma_start3A_176 = arith.constant 0 : i32
        %dma_start3A_177 = tpu.memref_slice %arg9[%dma_start3A_171, %dma_start3A_176] : memref<2x8192xi32, #tpu.memory_space<vmem>> -> memref<1x8192xi32, #tpu.memory_space<vmem>>
        %dma_start3A_178 = tpu.memref_squeeze %dma_start3A_177 : memref<1x8192xi32, #tpu.memory_space<vmem>> -> memref<8192xi32, #tpu.memory_space<vmem>>
        %dma_start3A_179 = tpu.memref_slice %arg4[%add3A_161] : memref<327680xi32, #tpu.memory_space<hbm>> -> memref<8192xi32, #tpu.memory_space<hbm>>
        tpu.enqueue_dma source(%dma_start3A_179 : memref<8192xi32, #tpu.memory_space<hbm>>) target(%dma_start3A_178 : memref<8192xi32, #tpu.memory_space<vmem>>) target_semaphore(%arg12 : memref<!tpu.dma_semaphore, #tpu.memory_space<semaphore_mem>>)
      } else {
      }
      %add3A_120 = arith.constant 1 : i32
      %add3A_121 = arith.addi %add3A_89, %add3A_120 : i32
      %mul3A_122 = arith.constant 327680 : i32
      %mul3A_123 = arith.muli %select_n3A_30, %mul3A_122 : i32
      %mul3A_124 = arith.constant 8192 : i32
      %mul3A_125 = arith.muli %add3A_121, %mul3A_124 : i32
      %add3A_126 = arith.addi %mul3A_123, %mul3A_125 : i32
      %dma_wait3A_127 = arith.constant 1 : i32
      %dma_wait3A_128 = arith.constant 0 : i32
      %dma_wait3A_129 = tpu.memref_slice %arg8[%dma_wait3A_127, %dma_wait3A_128] : memref<2x8192xi32, #tpu.memory_space<vmem>> -> memref<1x8192xi32, #tpu.memory_space<vmem>>
      %dma_wait3A_130 = tpu.memref_squeeze %dma_wait3A_129 : memref<1x8192xi32, #tpu.memory_space<vmem>> -> memref<8192xi32, #tpu.memory_space<vmem>>
      %dma_wait3A_131 = tpu.memref_slice %arg3[%add3A_126] : memref<327680xi32, #tpu.memory_space<hbm>> -> memref<8192xi32, #tpu.memory_space<hbm>>
      %dma_wait3A_132 = arith.constant 0 : i32
      %dma_wait3A_133 = tpu.memref_slice %arg8[%dma_wait3A_127, %dma_wait3A_132] : memref<2x8192xi32, #tpu.memory_space<vmem>> -> memref<1x8192xi32, #tpu.memory_space<vmem>>
      %dma_wait3A_134 = tpu.memref_squeeze %dma_wait3A_133 : memref<1x8192xi32, #tpu.memory_space<vmem>> -> memref<8192xi32, #tpu.memory_space<vmem>>
      %dma_wait3A_135 = tpu.memref_slice %arg3[%add3A_126] : memref<327680xi32, #tpu.memory_space<hbm>> -> memref<8192xi32, #tpu.memory_space<hbm>>
      tpu.wait_dma2 semaphore(%arg11 : memref<!tpu.dma_semaphore, #tpu.memory_space<semaphore_mem>>) src(%dma_wait3A_135 : memref<8192xi32, #tpu.memory_space<hbm>>) dst(%dma_wait3A_134 : memref<8192xi32, #tpu.memory_space<vmem>>)
      %dma_wait3A_136 = arith.constant 1 : i32
      %dma_wait3A_137 = arith.constant 0 : i32
      %dma_wait3A_138 = tpu.memref_slice %arg9[%dma_wait3A_136, %dma_wait3A_137] : memref<2x8192xi32, #tpu.memory_space<vmem>> -> memref<1x8192xi32, #tpu.memory_space<vmem>>
      %dma_wait3A_139 = tpu.memref_squeeze %dma_wait3A_138 : memref<1x8192xi32, #tpu.memory_space<vmem>> -> memref<8192xi32, #tpu.memory_space<vmem>>
      %dma_wait3A_140 = tpu.memref_slice %arg4[%add3A_126] : memref<327680xi32, #tpu.memory_space<hbm>> -> memref<8192xi32, #tpu.memory_space<hbm>>
      %dma_wait3A_141 = arith.constant 0 : i32
      %dma_wait3A_142 = tpu.memref_slice %arg9[%dma_wait3A_136, %dma_wait3A_141] : memref<2x8192xi32, #tpu.memory_space<vmem>> -> memref<1x8192xi32, #tpu.memory_space<vmem>>
      %dma_wait3A_143 = tpu.memref_squeeze %dma_wait3A_142 : memref<1x8192xi32, #tpu.memory_space<vmem>> -> memref<8192xi32, #tpu.memory_space<vmem>>
      %dma_wait3A_144 = tpu.memref_slice %arg4[%add3A_126] : memref<327680xi32, #tpu.memory_space<hbm>> -> memref<8192xi32, #tpu.memory_space<hbm>>
      tpu.wait_dma2 semaphore(%arg13 : memref<!tpu.dma_semaphore, #tpu.memory_space<semaphore_mem>>) src(%dma_wait3A_144 : memref<8192xi32, #tpu.memory_space<hbm>>) dst(%dma_wait3A_143 : memref<8192xi32, #tpu.memory_space<vmem>>)
      %parallel_loop3A_145 = arith.constant 0 : i32
      %parallel_loop3A_146 = arith.constant 512 : i32
      %parallel_loop3A_147 = arith.constant 1 : i32
      scf.for %parallel_loop3A_155 = %parallel_loop3A_145 to %parallel_loop3A_146 step %parallel_loop3A_147  : i32 {
        %parallel_loop3A_156 = arith.constant 16 : i32
        %parallel_loop3A_157 = arith.muli %parallel_loop3A_155, %parallel_loop3A_156 : i32
        %parallel_loop3A_158 = arith.constant 1 : i32
        %parallel_loop3A_159 = arith.index_cast %parallel_loop3A_158 : i32 to index
        %parallel_loop3A_160 = arith.index_cast %parallel_loop3A_157 : i32 to index
        %parallel_loop3A_161 = tpu.vector_load %arg8[%parallel_loop3A_159, %parallel_loop3A_160] {strides = array<i32>} : memref<2x8192xi32, #tpu.memory_space<vmem>>, vector<16xi32>,
        %parallel_loop3A_162 = arith.constant 1 : i32
        %parallel_loop3A_163 = arith.index_cast %parallel_loop3A_162 : i32 to index
        %parallel_loop3A_164 = arith.index_cast %parallel_loop3A_157 : i32 to index
        %parallel_loop3A_165 = tpu.vector_load %arg9[%parallel_loop3A_163, %parallel_loop3A_164] {strides = array<i32>} : memref<2x8192xi32, #tpu.memory_space<vmem>>, vector<16xi32>,
        %parallel_loop3A_166 = arith.constant 0 : i32
        %parallel_loop3A_167 = tpu.memref_slice %arg6[%parallel_loop3A_166] : memref<40448xf32, #tpu.memory_space<vmem>> -> memref<10112xf32, #tpu.memory_space<vmem>>
        %parallel_loop3A_168 = tpu.vector_load_idx %parallel_loop3A_167[%parallel_loop3A_161] : memref<10112xf32, #tpu.memory_space<vmem>>[vector<16xi32>], vector<16xf32>,
        %parallel_loop3A_169 = arith.constant 0 : i32
        %parallel_loop3A_170 = tpu.memref_slice %arg7[%parallel_loop3A_169] : memref<40448xf32, #tpu.memory_space<vmem>> -> memref<10112xf32, #tpu.memory_space<vmem>>
        tpu.vector_store_idx %parallel_loop3A_170[%parallel_loop3A_165], %parallel_loop3A_168 {add = true} : memref<10112xf32, #tpu.memory_space<vmem>>[vector<16xi32>], vector<16xf32>,
        %parallel_loop3A_171 = arith.constant 10112 : i32
        %parallel_loop3A_172 = tpu.memref_slice %arg6[%parallel_loop3A_171] : memref<40448xf32, #tpu.memory_space<vmem>> -> memref<10112xf32, #tpu.memory_space<vmem>>
        %parallel_loop3A_173 = tpu.vector_load_idx %parallel_loop3A_172[%parallel_loop3A_161] : memref<10112xf32, #tpu.memory_space<vmem>>[vector<16xi32>], vector<16xf32>,
        %parallel_loop3A_174 = arith.constant 10112 : i32
        %parallel_loop3A_175 = tpu.memref_slice %arg7[%parallel_loop3A_174] : memref<40448xf32, #tpu.memory_space<vmem>> -> memref<10112xf32, #tpu.memory_space<vmem>>
        tpu.vector_store_idx %parallel_loop3A_175[%parallel_loop3A_165], %parallel_loop3A_173 {add = true} : memref<10112xf32, #tpu.memory_space<vmem>>[vector<16xi32>], vector<16xf32>,
        %parallel_loop3A_176 = arith.constant 20224 : i32
        %parallel_loop3A_177 = tpu.memref_slice %arg6[%parallel_loop3A_176] : memref<40448xf32, #tpu.memory_space<vmem>> -> memref<10112xf32, #tpu.memory_space<vmem>>
        %parallel_loop3A_178 = tpu.vector_load_idx %parallel_loop3A_177[%parallel_loop3A_161] : memref<10112xf32, #tpu.memory_space<vmem>>[vector<16xi32>], vector<16xf32>,
        %parallel_loop3A_179 = arith.constant 20224 : i32
        %parallel_loop3A_180 = tpu.memref_slice %arg7[%parallel_loop3A_179] : memref<40448xf32, #tpu.memory_space<vmem>> -> memref<10112xf32, #tpu.memory_space<vmem>>
        tpu.vector_store_idx %parallel_loop3A_180[%parallel_loop3A_165], %parallel_loop3A_178 {add = true} : memref<10112xf32, #tpu.memory_space<vmem>>[vector<16xi32>], vector<16xf32>,
        %parallel_loop3A_181 = arith.constant 30336 : i32
        %parallel_loop3A_182 = tpu.memref_slice %arg6[%parallel_loop3A_181] : memref<40448xf32, #tpu.memory_space<vmem>> -> memref<10112xf32, #tpu.memory_space<vmem>>
        %parallel_loop3A_183 = tpu.vector_load_idx %parallel_loop3A_182[%parallel_loop3A_161] : memref<10112xf32, #tpu.memory_space<vmem>>[vector<16xi32>], vector<16xf32>,
        %parallel_loop3A_184 = arith.constant 30336 : i32
        %parallel_loop3A_185 = tpu.memref_slice %arg7[%parallel_loop3A_184] : memref<40448xf32, #tpu.memory_space<vmem>> -> memref<10112xf32, #tpu.memory_space<vmem>>
        tpu.vector_store_idx %parallel_loop3A_185[%parallel_loop3A_165], %parallel_loop3A_183 {add = true} : memref<10112xf32, #tpu.memory_space<vmem>>[vector<16xi32>], vector<16xf32>,
      } {sc.loop_unroll_factor = 4 : i64, sc.parallel_access}
      %add3A_148 = arith.constant 3 : i32
      %add3A_149 = arith.addi %add3A_89, %add3A_148 : i32
      %lt3A_150 = arith.constant 40 : i32
      %lt3A_151 = arith.cmpi slt, %add3A_149, %lt3A_150 : i32
      %convert_element_type3A_152 = arith.extui %lt3A_151 : i1 to i32
      %cond3A_153 = arith.constant 0 : i32
      %cond3A_154 = arith.cmpi ne, %convert_element_type3A_152, %cond3A_153 : i32
      scf.if %cond3A_154 {
        %add3A_155 = arith.constant 3 : i32
        %add3A_156 = arith.addi %add3A_89, %add3A_155 : i32
        %mul3A_157 = arith.constant 327680 : i32
        %mul3A_158 = arith.muli %select_n3A_30, %mul3A_157 : i32
        %mul3A_159 = arith.constant 8192 : i32
        %mul3A_160 = arith.muli %add3A_156, %mul3A_159 : i32
        %add3A_161 = arith.addi %mul3A_158, %mul3A_160 : i32
        %dma_start3A_162 = arith.constant 1 : i32
        %dma_start3A_163 = arith.constant 0 : i32
        %dma_start3A_164 = tpu.memref_slice %arg8[%dma_start3A_162, %dma_start3A_163] : memref<2x8192xi32, #tpu.memory_space<vmem>> -> memref<1x8192xi32, #tpu.memory_space<vmem>>
        %dma_start3A_165 = tpu.memref_squeeze %dma_start3A_164 : memref<1x8192xi32, #tpu.memory_space<vmem>> -> memref<8192xi32, #tpu.memory_space<vmem>>
        %dma_start3A_166 = tpu.memref_slice %arg3[%add3A_161] : memref<327680xi32, #tpu.memory_space<hbm>> -> memref<8192xi32, #tpu.memory_space<hbm>>
        %dma_start3A_167 = arith.constant 0 : i32
        %dma_start3A_168 = tpu.memref_slice %arg8[%dma_start3A_162, %dma_start3A_167] : memref<2x8192xi32, #tpu.memory_space<vmem>> -> memref<1x8192xi32, #tpu.memory_space<vmem>>
        %dma_start3A_169 = tpu.memref_squeeze %dma_start3A_168 : memref<1x8192xi32, #tpu.memory_space<vmem>> -> memref<8192xi32, #tpu.memory_space<vmem>>
        %dma_start3A_170 = tpu.memref_slice %arg3[%add3A_161] : memref<327680xi32, #tpu.memory_space<hbm>> -> memref<8192xi32, #tpu.memory_space<hbm>>
        tpu.enqueue_dma source(%dma_start3A_170 : memref<8192xi32, #tpu.memory_space<hbm>>) target(%dma_start3A_169 : memref<8192xi32, #tpu.memory_space<vmem>>) target_semaphore(%arg11 : memref<!tpu.dma_semaphore, #tpu.memory_space<semaphore_mem>>)
        %dma_start3A_171 = arith.constant 1 : i32
        %dma_start3A_172 = arith.constant 0 : i32
        %dma_start3A_173 = tpu.memref_slice %arg9[%dma_start3A_171, %dma_start3A_172] : memref<2x8192xi32, #tpu.memory_space<vmem>> -> memref<1x8192xi32, #tpu.memory_space<vmem>>
        %dma_start3A_174 = tpu.memref_squeeze %dma_start3A_173 : memref<1x8192xi32, #tpu.memory_space<vmem>> -> memref<8192xi32, #tpu.memory_space<vmem>>
        %dma_start3A_175 = tpu.memref_slice %arg4[%add3A_161] : memref<327680xi32, #tpu.memory_space<hbm>> -> memref<8192xi32, #tpu.memory_space<hbm>>
        %dma_start3A_176 = arith.constant 0 : i32
        %dma_start3A_177 = tpu.memref_slice %arg9[%dma_start3A_171, %dma_start3A_176] : memref<2x8192xi32, #tpu.memory_space<vmem>> -> memref<1x8192xi32, #tpu.memory_space<vmem>>
        %dma_start3A_178 = tpu.memref_squeeze %dma_start3A_177 : memref<1x8192xi32, #tpu.memory_space<vmem>> -> memref<8192xi32, #tpu.memory_space<vmem>>
        %dma_start3A_179 = tpu.memref_slice %arg4[%add3A_161] : memref<327680xi32, #tpu.memory_space<hbm>> -> memref<8192xi32, #tpu.memory_space<hbm>>
        tpu.enqueue_dma source(%dma_start3A_179 : memref<8192xi32, #tpu.memory_space<hbm>>) target(%dma_start3A_178 : memref<8192xi32, #tpu.memory_space<vmem>>) target_semaphore(%arg13 : memref<!tpu.dma_semaphore, #tpu.memory_space<semaphore_mem>>)
      } else {
      }
    }
    %scan3A_84 = arith.constant 20 : i32
    "tpu.region"() ({
      %run_scoped3A = tpu.sem_alloc : memref<!tpu.dma_semaphore, #tpu.memory_space<semaphore_mem>>
      %dma_start3A_85 = arith.constant 0 : i32
      %dma_start3A_86 = tpu.memref_slice %arg5[%add3A, %dma_start3A_85] : memref<32x40448xf32, #tpu.memory_space<hbm>> -> memref<1x40448xf32, #tpu.memory_space<hbm>>
      %dma_start3A_87 = tpu.memref_squeeze %dma_start3A_86 : memref<1x40448xf32, #tpu.memory_space<hbm>> -> memref<40448xf32, #tpu.memory_space<hbm>>
      %dma_start3A_88 = arith.constant 0 : i32
      %dma_start3A_89 = tpu.memref_slice %arg5[%add3A, %dma_start3A_88] : memref<32x40448xf32, #tpu.memory_space<hbm>> -> memref<1x40448xf32, #tpu.memory_space<hbm>>
      %dma_start3A_90 = tpu.memref_squeeze %dma_start3A_89 : memref<1x40448xf32, #tpu.memory_space<hbm>> -> memref<40448xf32, #tpu.memory_space<hbm>>
      tpu.enqueue_dma source(%arg7 : memref<40448xf32, #tpu.memory_space<vmem>>) target(%dma_start3A_90 : memref<40448xf32, #tpu.memory_space<hbm>>) target_semaphore(%run_scoped3A : memref<!tpu.dma_semaphore, #tpu.memory_space<semaphore_mem>>)
      %dma_wait3A = arith.constant 0 : i32
      %dma_wait3A_91 = tpu.memref_slice %arg5[%add3A, %dma_wait3A] : memref<32x40448xf32, #tpu.memory_space<hbm>> -> memref<1x40448xf32, #tpu.memory_space<hbm>>
      %dma_wait3A_92 = tpu.memref_squeeze %dma_wait3A_91 : memref<1x40448xf32, #tpu.memory_space<hbm>> -> memref<40448xf32, #tpu.memory_space<hbm>>
      %dma_wait3A_93 = arith.constant 0 : i32
      %dma_wait3A_94 = tpu.memref_slice %arg5[%add3A, %dma_wait3A_93] : memref<32x40448xf32, #tpu.memory_space<hbm>> -> memref<1x40448xf32, #tpu.memory_space<hbm>>
      %dma_wait3A_95 = tpu.memref_squeeze %dma_wait3A_94 : memref<1x40448xf32, #tpu.memory_space<hbm>> -> memref<40448xf32, #tpu.memory_space<hbm>>
      tpu.wait_dma2 semaphore(%run_scoped3A : memref<!tpu.dma_semaphore, #tpu.memory_space<semaphore_mem>>) src(%arg7 : memref<40448xf32, #tpu.memory_space<vmem>>) dst(%dma_wait3A_95 : memref<40448xf32, #tpu.memory_space<hbm>>)
      tpu.yield
    }) : () -> ()
    return
  }
}

</mosaic_0001>

<sc_bundles>
// kernel: _sc_agg_l1.3.cloned.1.call-start
scs
__scs_entry_jumppad:
0x0: {  	(pc) =	sbr.rel $0x88, $3  }
0x1: {  	(tag) =	ssettag $0x0;
	lr =	simm.s32 $0x1  }
0x2: {  	[smem:$0x3F9E] =	sst lr;
	_ =	strace $0xD0000000  }
0x3: {  	_ = 	snop  }
0x4: {  	_ = 	snop  }
0x5: {  	_ = 	snop  }
0x6: {  	_ = 	snop  }
0x7: {  	_ = 	snop  }
__scs_overlays_trampoline_lowered:
0x8: {  	[smem:$0x3FAD] =	sst s0  }
0x9: {  	[smem:$0x3FAE] =	sst s1  }
0xa: {  	[smem:$0x3FAF] =	sst s2  }
0xb: {  	[smem:$0x3FB0] =	sst s3  }
0xc: {  	[smem:$0x3FB1] =	sst s4  }
0xd: {  	[smem:$0x3FB2] =	sst s5  }
0xe: {  	[smem:$0x3FB3] =	sst s6  }
0xf: {  	[smem:$0x3FB4] =	sst s7  }
0x10: {  	[smem:$0x3FB5] =	sst s8  }
0x11: {  	[smem:$0x3FB6] =	sst s9;
	s0 =	simm.s32 @!p0 $0x0  }
0x12: {  	s1 =	sld [smem:$0x3F9C];
	s0 =	simm.s32 @p0 $0x1  }
0x13: {  	[smem:$0x3FB7] =	sst s0;
	s0 =	simm.s32 @!p1 $0x0  }
0x14: {  	s2 =	sld [smem:$0x3F9B];
	s0 =	simm.s32 @p1 $0x1  }
0x15: {  	[smem:$0x3FB8] =	sst s0;
	s0 =	simm.s32 @!p2 $0x0  }
0x16: {  	s3 =	sld [smem:$0x3FDB];
	s0 =	simm.s32 @p2 $0x1  }
0x17: {  	s4 =	simm.s32 $0x1BF5;
	[smem:$0x3FBA] =	sst s0  }
0x18: {  	s0 =	sld [smem:$0x3F9D];
	_ =	swait.ge [sflag:s4], $0x0  }
0x19: {  	s7 =	sld [smem:$0x3F9E]  }
0x1a: {  	s8 =	sadd.s32 $0xFFFFE003, lr  }
0x1b: {  	s9 =	sadd.s32 $0xFFFFFEF7, lr;
	s5 =	simm.s32 $0xFFFFFFFF;
	p2 =	slt.u32 s8, $0xFFFFF086  }
0x1c: {  	p1 =	slt.u32 s9, $0xF7A;
	s5 =	simm.s32 @!p2 $0x0  }
0x1d: {  	s5 =	simm.s32 @p1 $0x1;
	p0 =	seq.s32 s7, s2  }
0x1e: {  	s7 =	smul.u32 @!p0 $0xF7A, s2;
	p2 =	seq.s32 @!p0 s5, $0x0  }
0x1f: {  	s9 =	smul.u32 $0xF7A, s1;
	s8 =	simm.s32 @!p0 $0x1BF5;
	p2 =	por !p2, p0  }
0x20: {  	[sflag:s8] =	ssyncset.s32 @!p0 $0xFFFFF086;
	s6 =	sadd.s32 @!p0 s3, s7;
	s7 =	simm.s32 @!p0 $0x108  }
0x21: {  	s3 =	sadd.s32 s3, s9;
	s6 =	sadd.s32 @!p0 $0x88, s6;
	s7 =	simm.s32 @p2 $0x1082  }
0x22: {  	[simem:s7], [sflag:s8] =	dma.local @!p0 [hbm:s6], $0xF7A  }
0x23: {  	s9 =	sor.u32 $0xD0000000, s2;
	s6 =	simm.s32 $0x108;
	_ =	swait.ge @!p0 [sflag:s8], $0x0  }
0x24: {  	s3 =	sadd.s32 $0x88, s3;
	s6 =	simm.s32 @!p1 $0x1082;
	[sflag:s4] =	ssyncset.s32 $0xFFFFF086  }
0x25: {  	[simem:s6], [sflag:s4] =	dma.local [hbm:s3], $0xF7A  }
0x26: {  	[smem:$0x3F9E] =	sst s1;
	(tag) =	ssettag s2;
	_ =	strace s9  }
0x27: {  	s1 =	sld [smem:$0x3FAE]  }
0x28: {  	s2 =	sld [smem:$0x3FAF]  }
0x29: {  	s4 =	sld [smem:$0x3FB1]  }
0x2a: {  	p0 =	seq.s32 s5, $0x0;
	s5 =	sld [smem:$0x3FB2]  }
0x2b: {  	s6 =	sld [smem:$0x3FB3]  }
0x2c: {  	s7 =	sld [smem:$0x3FB4]  }
0x2d: {  	s3 =	simm.s32 $0x108;
	s8 =	sld [smem:$0x3FB5]  }
0x2e: {  	s3 =	simm.s32 @!p0 $0x1082;
	s9 =	sld [smem:$0x3FB6]  }
0x2f: {  	lr =	sadd.s32 s0, s3;
	s0 =	sld [smem:$0x3FAD]  }
0x30: {  	s3 =	sld [smem:$0x3FB0]  }
0x31: {  	[smem:$0x3FB9] =	sst s10  }
0x32: {  	s10 =	sld [smem:$0x3FB7];
	_ =	sdelay $0x3  }
0x33: {  	p0 =	seq.s32 s10, $0x1;
	s10 =	sld [smem:$0x3FB9];
	_ =	sdelay $0x3  }
0x34: {  	[smem:$0x3FB9] =	sst s10  }
0x35: {  	s10 =	sld [smem:$0x3FB8];
	_ =	sdelay $0x3  }
0x36: {  	p1 =	seq.s32 s10, $0x1;
	s10 =	sld [smem:$0x3FB9];
	_ =	sdelay $0x3  }
0x37: {  	[smem:$0x3FB9] =	sst s10  }
0x38: {  	s10 =	sld [smem:$0x3FBA]  }
0x39: {  	_ = 	snop;
	(pc) =	sbr.ind lr, $3  }
0x3a: {  	_ = 	snop  }
0x3b: {  	_ = 	snop  }
0x3c: {  	p2 =	seq.s32 s10, $0x1;
	s10 =	sld [smem:$0x3FB9]  }
0x3d: {  	_ =	shalt  }
0x3e: {  	_ =	shalt  }
0x3f: {  	_ =	shalt  }
0x40: {  	_ =	shalt  }
0x41: {  	_ =	shalt  }
0x42: {  	_ =	shalt  }
0x43: {  	_ =	shalt  }
0x44: {  	_ =	shalt  }
0x45: {  	_ =	shalt  }
0x46: {  	_ =	shalt  }
0x47: {  	_ =	shalt  }
0x48: {  	_ =	shalt  }
0x49: {  	_ =	shalt  }
0x4a: {  	_ =	shalt  }
0x4b: {  	_ =	shalt  }
0x4c: {  	_ =	shalt  }
0x4d: {  	_ =	shalt  }
0x4e: {  	_ =	shalt  }
0x4f: {  	_ =	shalt  }
0x50: {  	_ =	shalt  }
0x51: {  	_ =	shalt  }
0x52: {  	_ =	shalt  }
0x53: {  	_ =	shalt  }
0x54: {  	_ =	shalt  }
0x55: {  	_ =	shalt  }
0x56: {  	_ =	shalt  }
0x57: {  	_ =	shalt  }
0x58: {  	_ =	shalt  }
0x59: {  	_ =	shalt  }
0x5a: {  	_ =	shalt  }
0x5b: {  	_ =	shalt  }
0x5c: {  	_ =	shalt  }
0x5d: {  	_ =	shalt  }
0x5e: {  	_ =	shalt  }
0x5f: {  	_ =	shalt  }
0x60: {  	_ =	shalt  }
0x61: {  	_ =	shalt  }
0x62: {  	_ =	shalt  }
0x63: {  	_ =	shalt  }
0x64: {  	_ =	shalt  }
0x65: {  	_ =	shalt  }
0x66: {  	_ =	shalt  }
0x67: {  	_ =	shalt  }
0x68: {  	_ =	shalt  }
0x69: {  	_ =	shalt  }
0x6a: {  	_ =	shalt  }
0x6b: {  	_ =	shalt  }
0x6c: {  	_ =	shalt  }
0x6d: {  	_ =	shalt  }
0x6e: {  	_ =	shalt  }
0x6f: {  	_ =	shalt  }
0x70: {  	_ =	shalt  }
0x71: {  	_ =	shalt  }
0x72: {  	_ =	shalt  }
0x73: {  	_ =	shalt  }
0x74: {  	_ =	shalt  }
0x75: {  	_ =	shalt  }
0x76: {  	_ =	shalt  }
0x77: {  	_ =	shalt  }
0x78: {  	_ =	shalt  }
0x79: {  	_ =	shalt  }
0x7a: {  	_ =	shalt  }
0x7b: {  	_ =	shalt  }
0x7c: {  	_ =	shalt  }
0x7d: {  	_ =	shalt  }
0x7e: {  	_ =	shalt  }
0x7f: {  	_ =	shalt  }
0x80: {  	_ =	shalt  }
0x81: {  	_ =	shalt  }
0x82: {  	_ =	shalt  }
0x83: {  	_ =	shalt  }
0x84: {  	_ =	shalt  }
0x85: {  	_ =	shalt  }
0x86: {  	_ =	shalt  }
0x87: {  	_ =	shalt  }
.Lfunc_end0:
.L_simem_size_0:
called_computation_lowered:
.L_overlay_start_0:
0x88: {  	s2 =	sld [smem:$0x3FD9]  }
0x89: {  	s3 =	sld [smem:$0x3FFE];
	_ =	sdelay $0x1  }
0x8a: {  	s1 =	srdreg.scid  }
0x8b: {  	s0 =	sand.u32 $0x1, s1  }
0x8c: {  	s18 =	sshll.u32 s0, $0xA;
	s2 =	sadd.s32 s3, s2  }
0x8d: {  	s2 =	sadd.s32 s2, s18  }
0x8e: {  	[smem:$0x3FC5] =	sst s2  }
0x8f: {  	_ = 	snop  }
0x90: {  	s2 =	sld [smem:$0x3FC9]  }
0x91: {  	s19 =	sld [smem:$0x3FC8]  }
0x92: {  	s4 =	sld [smem:$0x3FC7]  }
0x93: {  	s5 =	sld [smem:$0x3FD0];
	(tm) =	ssettm $0x1  }
0x94: {  	s6 =	sld [smem:$0x3FFB];
	_ =	sdelay $0x3  }
0x95: {  	_ =	strace s6  }
0x96: {  	s6 =	sld [smem:$0x3FFC];
	_ =	sdelay $0x3  }
0x97: {  	_ =	strace s6  }
0x98: {  	s6 =	sld [smem:$0x3FFD];
	_ =	sdelay $0x3  }
0x99: {  	_ =	strace s6  }
0x9a: {  	_ =	strace $0x8FFFFFFF  }
0x9b: {  	s20 =	sld [smem:$0x3FDB];
	_ =	sdelay $0x1  }
0x9c: {  	s7 =	simm.s32 $_scs_section_size  }
0x9d: {  	s8 =	simm.s32 $_size__tile_overlayer_lowered;
	s9 =	simm.s32 $_tile_overlayer_lowered  }
0x9e: {  	s23 =	simm.s32 $0x1BFF;
	s22 =	sshll.u32 s9, $0x1;
	s6 =	sadd.s32 s7, s20  }
0x9f: {  	s10 =	simm.s32 $0x0;
	s21 =	sshll.u32 s8, $0x1;
	s8 =	sadd.s32 s22, s6  }
0xa0: {  	[timem:s10], [sflag:s23] =	dma.local [hbm:s8], s21  }
0xa1: {  	_ =	swait.ge [sflag:s23], s21  }
0xa2: {  	s7 =	ssub.s32 $0x0, s21;
	[sflag:s23] =	ssyncset.done $0x0  }
0xa3: {  	[sflag:s23] =	ssyncadd.s32 s7;
	_ =	sdelay $0x1  }
0xa4: {  	s24 =	simm.s32 $0x1B8B  }
0xa5: {  	_ =	swait.ge [sflag:s24], $0x1  }
0xa6: {  	[sflag:s24] =	ssyncset.done $0x0  }
0xa7: {  	s25 =	simm.s32 $0x1B8E;
	[sflag:s24] =	ssyncadd.s32 $0xFFFFFFFF  }
0xa8: {  	s26 =	simm.s32 $execute0_lowered;
	[smem:$0x3FD2] =	sst s25  }
0xa9: {  	s7 =	sshll.u32 s26, $0x1;
	_ =	strace $0x80000046;
	[dreg:$0x1] =	wrdreg $0xFFFFFFFF  }
0xaa: {  	s28 =	simm.s32 $_size_execute0_lowered;
	s6 =	sadd.s32 s6, s7;
	[dreg:$0x0] =	wrdreg $0x0  }
0xab: {  	s7 =	sshll.u32 s28, $0x1;
	[dreg:$0x2] =	wrdreg s6  }
0xac: {  	[dreg:$0x3] =	wrdreg s7  }
0xad: {  	[dreg:$0x4] =	wrdreg $0xC0  }
0xae: {  	_ =	task [dreg:s10], $0x5FFFF  }
0xaf: {  	[dreg:$0x1] =	wrdreg $0xFFFFFFFF  }
0xb0: {  	[dreg:$0x0] =	wrdreg $0x60  }
0xb1: {  	[dreg:$0x2] =	wrdreg s2  }
0xb2: {  	[dreg:$0x3] =	wrdreg s19  }
0xb3: {  	[dreg:$0x4] =	wrdreg s4  }
0xb4: {  	[dreg:$0x5] =	wrdreg s5  }
0xb5: {  	[dreg:$0x6] =	wrdreg $0x9  }
0xb6: {  	_ =	task.clear_ibuf [dreg:s10], $0x7FFFF;
	_ =	strace $0x90000046  }
0xb7: {  	s29 =	simm.s32 $0x9;
	_ =	strace $0x80000048  }
0xb8: {  	_ =	swait.ge [sflag:s29], $0x1  }
0xb9: {  	[sflag:s29] =	ssyncadd.s32 $0xFFFFFFFF  }
0xba: {  	_ =	strace $0x90000048  }
0xbb: {  	_ =	sfence  }
0xbc: {  	s30 =	sld [smem:$0x0];
	_ =	sdelay $0x2  }
0xbd: {  	s31 =	sshll.u32 s1, $0xD;
	s1 =	sshrl.u32 s1, $0x2  }
0xbe: {  	s3 =	sand.u32 $0x4000, s31;
	s1 =	sadd.s32 s1, s30  }
0xbf: {  	s0 =	sor.u32 s3, s0;
	s1 =	sshll.u32 s1, $0x11  }
0xc0: {  	s0 =	sor.u32 s1, s0  }
0xc1: {  	s0 =	sadd.s32 $0x8F2B, s0  }
0xc2: {  	[sflag:s0] =	ssyncadd.remote.s32 $0x1  }
0xc3: {  	_ =	sfence.sel $0xFFFF  }
0xc4: {  	[dreg:$0x0] =	wrdreg $0xFFFFFFFF;
	(pc) =	sbr.abs _section_cstart, $3  }
0xc5: {  	[dreg:$0x1] =	wrdreg $0xFFFFFFFF  }
0xc6: {  	_ =	task.clear_ibuf [dreg:s10], $0x2FFFF;
	_ =	strace $0x9FFFFFFF  }
0xc7: {  	(tm) =	ssettm $0x7FFFFFFF  }
tec
execute0_lowered:
.L_overlay_start_1:
0x0: {  	(tag) =	ssettag $0x1  }
0x1: {  	s0 =	rddreg [dreg:$0x0]  }
0x2: {  	s1 =	rddreg [dreg:$0x1]  }
0x3: {  	s2 =	srdreg.scid;
	s3 =	rddreg [dreg:$0x2]  }
0x4: {  	s6 =	stileid.u32;
	s8 =	rddreg [dreg:$0x3]  }
0x5: {  	s10 =	simm.s32 $0x80;
	s11 =	simm.s32 $0x400;
	s12 =	simm.s32 $0x5  }
0x6: {  	s13 =	simm.s32 $0x1;
	s14 =	simm.s32 $0x3;
	s15 =	simm.s32 $0x9E00  }
0x7: {  	s16 =	simm.s32 $0x2780;
	s17 =	simm.s32 $0xC580;
	s2 =	sand.u32 $0x1, s2  }
0x8: {  	s18 =	simm.s32 $0x4F00;
	s19 =	simm.s32 $0xED00;
	s4 =	sshll.u32 s2, $0x4  }
0x9: {  	s20 =	simm.s32 $0x7680;
	s21 =	simm.s32 $0x11480;
	s5 =	sor.u32 s6, s4  }
0xa: {  	s22 =	simm.s32 $0x2;
	s23 =	simm.s32 $0x4;
	s5 =	sshrl.u32 s5, $0x3  }
0xb: {  	s24 =	simm.s32 $0x0;
	s2 =	ssub.s32 $0x2, s2;
	s5 =	smul.u32 $0x4F000, s5  }
.Ltmp0:
0xc: {  	s4 =	simm.s32 $0x0;
	s6 =	sshll.u32 s6, $0x7;
	(pc) =	sbr.rel .LBB2_1-.Ltmp0, $4  }
0xd: {  	s7 =	sshrl.u32 s2, $0x1;
	[smem:$0x7FF] =	sst s4;
	s6 =	sand.u32 $0x380, s6  }
0xe: {  	s2 =	ssub.s32 s2, s7;
	_ =	strace $0x80000047;
	s31 =	sor.u32 s6, s5  }
0xf: {  	s5 =	sadd.s32 $0x400, s1;
	s6 =	sadd.s32 $0x400, s3;
	s9 =	sshrl.u32 s31, $0x3  }
0x10: {  	s7 =	sadd.s32 s0, s9;
	s8 =	sadd.s32 s8, s9;
	s9 =	smax.u32 s2, $0x1  }
.LBB2_28:
0x11: {  	s24 =	sadd.s32 $0x1, s24  }
0x12: {  	p0 =	sne.s32 s24, s9  }
.Ltmp1:
0x13: {  	s10 =	simm.s32 $0x80;
	(pc) =	sbr.rel @!p0 .LBB2_29-.Ltmp1, $4  }
0x14: {  	[hbm4b:s8+s10] =	stream.strided.scatter [tilespmem:s15], [sflag:$0x5], $0x9E00, s11, s10, $0x38;
	[tilespmem:$0x1BC00] =	vst v63  }
0x15: {  	_ =	swait.ge [sflag:s12], $0x9E00  }
0x16: {  	[sflag:s12] =	ssyncset.done $0x0  }
0x17: {  	[sflag:s12] =	ssyncadd.s32 $0xFFFF6200  }
.LBB2_1:
0x18: {  	s25 =	simm.s32 $0x13C00  }
0x19: {  	s26 =	simm.s32 $0x10;
	s0 =	sadd.s32 $0x0, s1;
	s2 =	simm.s32 $0x13D00  }
.LBB2_2:
0x1a: {  	[tilespmem:s25], [sflag:$0x1] =	stream.linear.gather [hbm4b:s0+s4], $0x80, $0x38;
	[tilespmem:$0x1BC00] =	vst v63  }
0x1b: {  	s0 =	smov.u32 s26;
	s25 =	smov.u32 s2;
	p0 =	seq.s32 s26, $0x3F0  }
.Ltmp2:
0x1c: {  	s26 =	sadd.s32 $0x10, s26;
	(pc) =	sbr.rel @!p0 .LBB2_2-.Ltmp2, $2  }
0x1d: {  	_ =	sdelay $0x2  }
0x1e: {  	s2 =	sadd.s32 $0x100, s2;
	s0 =	sadd.s32 s0, s1  }
0x1f: {  	[tilespmem:s25], [sflag:$0x1] =	stream.linear.gather [hbm4b:s0+s4], $0x80, $0x38;
	[tilespmem:$0x1BC00] =	vst v63  }
0x20: {  	s25 =	simm.s32 $0x17C00  }
0x21: {  	s26 =	simm.s32 $0x10;
	s0 =	sadd.s32 $0x0, s3;
	s2 =	simm.s32 $0x17D00  }
.LBB2_4:
0x22: {  	[tilespmem:s25], [sflag:$0x3] =	stream.linear.gather [hbm4b:s0+s4], $0x80, $0x38;
	[tilespmem:$0x1BC00] =	vst v63  }
0x23: {  	s0 =	smov.u32 s26;
	s25 =	smov.u32 s2;
	p0 =	sne.s32 s26, $0x3F0  }
.Ltmp3:
0x24: {  	s26 =	sadd.s32 $0x10, s26;
	(pc) =	sbr.rel @p0 .LBB2_4-.Ltmp3, $2  }
0x25: {  	_ =	sdelay $0x2  }
0x26: {  	s2 =	sadd.s32 $0x100, s2;
	s0 =	sadd.s32 s0, s3  }
0x27: {  	[tilespmem:s25], [sflag:$0x3] =	stream.linear.gather [hbm4b:s0+s4], $0x80, $0x38;
	[tilespmem:$0x1BC00] =	vst v63  }
0x28: {  	s25 =	simm.s32 $0x13C80  }
0x29: {  	s26 =	simm.s32 $0x10;
	s0 =	sadd.s32 $0x0, s5;
	s2 =	simm.s32 $0x13D80  }
.LBB2_6:
0x2a: {  	[tilespmem:s25], [sflag:$0x2] =	stream.linear.gather [hbm4b:s0+s4], $0x80, $0x38;
	[tilespmem:$0x1BC00] =	vst v63  }
0x2b: {  	s0 =	smov.u32 s26;
	s25 =	smov.u32 s2;
	p0 =	sne.s32 s26, $0x3F0  }
.Ltmp4:
0x2c: {  	s26 =	sadd.s32 $0x10, s26;
	(pc) =	sbr.rel @p0 .LBB2_6-.Ltmp4, $2  }
0x2d: {  	_ =	sdelay $0x2  }
0x2e: {  	s2 =	sadd.s32 $0x100, s2;
	s0 =	sadd.s32 s0, s5  }
0x2f: {  	[tilespmem:s25], [sflag:$0x2] =	stream.linear.gather [hbm4b:s0+s4], $0x80, $0x38;
	[tilespmem:$0x1BC00] =	vst v63  }
0x30: {  	s25 =	simm.s32 $0x17C80  }
0x31: {  	s26 =	simm.s32 $0x10;
	s0 =	sadd.s32 $0x0, s6;
	s2 =	simm.s32 $0x17D80  }
.LBB2_8:
0x32: {  	[tilespmem:s25], [sflag:$0x4] =	stream.linear.gather [hbm4b:s0+s4], $0x80, $0x38;
	[tilespmem:$0x1BC00] =	vst v63  }
0x33: {  	s0 =	smov.u32 s26;
	s25 =	smov.u32 s2;
	p0 =	sne.s32 s26, $0x3F0  }
.Ltmp5:
0x34: {  	s26 =	sadd.s32 $0x10, s26;
	(pc) =	sbr.rel @p0 .LBB2_8-.Ltmp5, $2  }
0x35: {  	_ =	sdelay $0x2  }
0x36: {  	s2 =	sadd.s32 $0x100, s2;
	s0 =	sadd.s32 s0, s6  }
0x37: {  	[tilespmem:s25], [sflag:$0x4] =	stream.linear.gather [hbm4b:s0+s4], $0x80, $0x38;
	[tilespmem:$0x1BC00] =	vst v63  }
0x38: {  	_ = 	snop  }
0x39: {  	[tilespmem:s4], [sflag:$0x5] =	stream.strided.gather [hbm4b:s7+s10], $0x9E00, s11, s10, $0x38;
	[tilespmem:$0x1BC00] =	vst v63  }
0x3a: {  	_ =	swait.ge [sflag:s12], $0x9E00  }
0x3b: {  	[sflag:s12] =	ssyncset.done $0x0  }
0x3c: {  	s31 =	simm.s32 $0x20;
	[sflag:s12] =	ssyncadd.s32 $0xFFFF6200  }
0x3d: {  	v3 =	vld [tilespmem:s31+$0x0];
	_ =	sdelay $0x1  }
0x3e: {  	v0 =	vld [tilespmem:s31+$0xFFFFFFE0]  }
0x3f: {  	v1 =	vld [tilespmem:s31+$0xFFFFFFF0]  }
0x40: {  	s26 =	simm.s32 $0x9E20;
	v2 =	vld [tilespmem:s31+$0x10]  }
0x41: {  	s25 =	simm.s32 $0x0;
	s28 =	simm.s32 $0x60;
	s29 =	simm.s32 $0x9E20;
	[tilespmem:s26+$0x0] =	vst v3  }
.LBB2_10:
0x42: {  	s25 =	sadd.s32 $0x4, s25  }
0x43: {  	v3 =	vld [tilespmem:s28+$0x0];
	[tilespmem:s26+$0xFFFFFFE0] =	vst v0;
	s29 =	sadd.s32 $0x40, s29;
	p0 =	slt.u32 s25, $0x9DC  }
.Ltmp6:
0x44: {  	v0 =	vld [tilespmem:s28+$0xFFFFFFE0];
	[tilespmem:s26+$0xFFFFFFF0] =	vst v1;
	(pc) =	sbr.rel @p0 .LBB2_10-.Ltmp6, $3  }
0x45: {  	v1 =	vld [tilespmem:s28+$0xFFFFFFF0];
	[tilespmem:s26+$0x10] =	vst v2;
	s26 =	smov.u32 s29  }
0x46: {  	v2 =	vld [tilespmem:s28+$0x10];
	_ =	sdelay $0x1  }
0x47: {  	s28 =	sadd.s32 $0x40, s28;
	[tilespmem:s29+$0x0] =	vst v3  }
0x48: {  	[tilespmem:s26+$0xFFFFFFE0] =	vst v0  }
0x49: {  	[tilespmem:s26+$0xFFFFFFF0] =	vst v1  }
0x4a: {  	s25 =	simm.s32 $0x0;
	[tilespmem:s26+$0x10] =	vst v2;
	s26 =	simm.s32 $0x0  }
.LBB2_12:
0x4b: {  	_ =	swait.ge [sflag:s13], $0x2000  }
0x4c: {  	[sflag:s13] =	ssyncset.done $0x0  }
0x4d: {  	[sflag:s13] =	ssyncadd.s32 $0xFFFFE000  }
0x4e: {  	_ =	swait.ge [sflag:s14], $0x2000  }
0x4f: {  	s0 =	sand.u32 $0x40, s25;
	s2 =	sand.u32 $0x3F00, s25;
	[sflag:s14] =	ssyncset.done $0x0  }
0x50: {  	s0 =	sor.u32 s0, s2;
	[sflag:s14] =	ssyncadd.s32 $0xFFFFE000  }
0x51: {  	v5 =	vld [tilespmem:s0+$0x13C30]  }
0x52: {  	v6 =	vld [tilespmem:s0+$0x13C00]  }
0x53: {  	v3 =	vld [tilespmem:s0+$0x13C10]  }
0x54: {  	v0 =	vld [tilespmem:s0+$0x13C20]  }
0x55: {  	v8 =	vld [tilespmem:s0+$0x17C30]  }
0x56: {  	v1 =	vld [tilespmem:s0+$0x17C00]  }
0x57: {  	v2 =	vld [tilespmem:s0+$0x17C10]  }
0x58: {  	v4 =	vld [tilespmem:s0+$0x17C20]  }
0x59: {  	v7 =	vld.idx.msk [tilespmem:v5+s4+$0x0], $0xffff  }
0x5a: {  	v9 =	vld.idx.msk [tilespmem:v6+s4+$0x0], $0xffff  }
0x5b: {  	v10 =	vld.idx.msk [tilespmem:v3+s4+$0x0], $0xffff;
	_ =	sdelay $0x1  }
0x5c: {  	v11 =	vld.idx.msk [tilespmem:v0+s4+$0x0], $0xffff  }
0x5d: {  	[tilespmem:v8+s15+$0x0] =	vst.idx.add.f32.msk $0xffff, v7  }
0x5e: {  	[tilespmem:v1+s15+$0x0] =	vst.idx.add.f32.msk $0xffff, v9  }
0x5f: {  	[tilespmem:v2+s15+$0x0] =	vst.idx.add.f32.msk $0xffff, v10  }
0x60: {  	v7 =	vld.idx.msk [tilespmem:v5+s16+$0x0], $0xffff  }
0x61: {  	v9 =	vld.idx.msk [tilespmem:v6+s16+$0x0], $0xffff  }
0x62: {  	[tilespmem:v4+s15+$0x0] =	vst.idx.add.f32.msk $0xffff, v11  }
0x63: {  	v10 =	vld.idx.msk [tilespmem:v3+s16+$0x0], $0xffff  }
0x64: {  	v11 =	vld.idx.msk [tilespmem:v0+s16+$0x0], $0xffff  }
0x65: {  	[tilespmem:v8+s17+$0x0] =	vst.idx.add.f32.msk $0xffff, v7  }
0x66: {  	[tilespmem:v1+s17+$0x0] =	vst.idx.add.f32.msk $0xffff, v9  }
0x67: {  	v7 =	vld.idx.msk [tilespmem:v5+s18+$0x0], $0xffff  }
0x68: {  	[tilespmem:v2+s17+$0x0] =	vst.idx.add.f32.msk $0xffff, v10  }
0x69: {  	[tilespmem:v4+s17+$0x0] =	vst.idx.add.f32.msk $0xffff, v11  }
0x6a: {  	v9 =	vld.idx.msk [tilespmem:v6+s18+$0x0], $0xffff  }
0x6b: {  	v10 =	vld.idx.msk [tilespmem:v3+s18+$0x0], $0xffff  }
0x6c: {  	[tilespmem:v8+s19+$0x0] =	vst.idx.add.f32.msk $0xffff, v7  }
0x6d: {  	v5 =	vld.idx.msk [tilespmem:v5+s20+$0x0], $0xffff  }
0x6e: {  	v7 =	vld.idx.msk [tilespmem:v0+s18+$0x0], $0xffff  }
0x6f: {  	[tilespmem:v1+s19+$0x0] =	vst.idx.add.f32.msk $0xffff, v9  }
0x70: {  	[tilespmem:v2+s19+$0x0] =	vst.idx.add.f32.msk $0xffff, v10  }
0x71: {  	v6 =	vld.idx.msk [tilespmem:v6+s20+$0x0], $0xffff  }
0x72: {  	s28 =	simm.s32 $0x0;
	s29 =	simm.s32 $0x80;
	s30 =	simm.s32 $0x40;
	[tilespmem:v8+s21+$0x0] =	vst.idx.add.f32.msk $0xffff, v5;
	v5 =	vmov v4  }
.LBB2_13:
0x73: {  	s0 =	sand.u32 $0x40, s30;
	s2 =	sand.u32 $0x3F00, s29;
	s28 =	sadd.s32 $0x4, s28;
	[tilespmem:v4+s19+$0x0] =	vst.idx.add.f32.msk $0xffff, v7  }
0x74: {  	s0 =	sor.u32 s0, s2;
	p0 =	slt.u32 s28, $0x1FC;
	v7 =	vld.idx.msk [tilespmem:v3+s20+$0x0], $0xffff  }
0x75: {  	v8 =	vld [tilespmem:s0+$0x13C30]  }
0x76: {  	v9 =	vld [tilespmem:s0+$0x13C00]  }
0x77: {  	v3 =	vld [tilespmem:s0+$0x13C10]  }
0x78: {  	v10 =	vld [tilespmem:s0+$0x13C20]  }
0x79: {  	v11 =	vld [tilespmem:s0+$0x17C00]  }
0x7a: {  	v12 =	vld [tilespmem:s0+$0x17C10]  }
0x7b: {  	v13 =	vld [tilespmem:s0+$0x17C30]  }
0x7c: {  	v4 =	vld [tilespmem:s0+$0x17C20]  }
0x7d: {  	v14 =	vld.idx.msk [tilespmem:v8+s4+$0x0], $0xffff  }
0x7e: {  	v15 =	vld.idx.msk [tilespmem:v9+s4+$0x0], $0xffff  }
0x7f: {  	v16 =	vld.idx.msk [tilespmem:v3+s4+$0x0], $0xffff  }
0x80: {  	v17 =	vld.idx.msk [tilespmem:v10+s4+$0x0], $0xffff  }
0x81: {  	v18 =	vld.idx.msk [tilespmem:v0+s20+$0x0], $0xffff;
	v0 =	vmov v10  }
0x82: {  	[tilespmem:v1+s21+$0x0] =	vst.idx.add.f32.msk $0xffff, v6;
	v1 =	vmov v11  }
0x83: {  	[tilespmem:v13+s15+$0x0] =	vst.idx.add.f32.msk $0xffff, v14  }
0x84: {  	v6 =	vld.idx.msk [tilespmem:v8+s16+$0x0], $0xffff  }
0x85: {  	[tilespmem:v11+s15+$0x0] =	vst.idx.add.f32.msk $0xffff, v15  }
0x86: {  	[tilespmem:v12+s15+$0x0] =	vst.idx.add.f32.msk $0xffff, v16  }
0x87: {  	[tilespmem:v4+s15+$0x0] =	vst.idx.add.f32.msk $0xffff, v17  }
0x88: {  	v10 =	vld.idx.msk [tilespmem:v9+s16+$0x0], $0xffff  }
0x89: {  	v11 =	vld.idx.msk [tilespmem:v3+s16+$0x0], $0xffff  }
0x8a: {  	[tilespmem:v13+s17+$0x0] =	vst.idx.add.f32.msk $0xffff, v6  }
0x8b: {  	v6 =	vld.idx.msk [tilespmem:v8+s18+$0x0], $0xffff  }
0x8c: {  	v14 =	vld.idx.msk [tilespmem:v0+s16+$0x0], $0xffff  }
0x8d: {  	[tilespmem:v2+s21+$0x0] =	vst.idx.add.f32.msk $0xffff, v7;
	v2 =	vmov v12  }
0x8e: {  	[tilespmem:v1+s17+$0x0] =	vst.idx.add.f32.msk $0xffff, v10  }
0x8f: {  	[tilespmem:v12+s17+$0x0] =	vst.idx.add.f32.msk $0xffff, v11  }
0x90: {  	v10 =	vld.idx.msk [tilespmem:v9+s18+$0x0], $0xffff  }
0x91: {  	[tilespmem:v13+s19+$0x0] =	vst.idx.add.f32.msk $0xffff, v6  }
0x92: {  	v8 =	vld.idx.msk [tilespmem:v8+s20+$0x0], $0xffff  }
0x93: {  	[tilespmem:v4+s17+$0x0] =	vst.idx.add.f32.msk $0xffff, v14  }
0x94: {  	v11 =	vld.idx.msk [tilespmem:v3+s18+$0x0], $0xffff  }
0x95: {  	v7 =	vld.idx.msk [tilespmem:v0+s18+$0x0], $0xffff  }
.Ltmp7:
0x96: {  	[tilespmem:v1+s19+$0x0] =	vst.idx.add.f32.msk $0xffff, v10;
	(pc) =	sbr.rel @p0 .LBB2_13-.Ltmp7, $4  }
0x97: {  	v6 =	vld.idx.msk [tilespmem:v9+s20+$0x0], $0xffff  }
0x98: {  	[tilespmem:v13+s21+$0x0] =	vst.idx.add.f32.msk $0xffff, v8  }
0x99: {  	[tilespmem:v5+s21+$0x0] =	vst.idx.add.f32.msk $0xffff, v18;
	v5 =	vmov v4  }
0x9a: {  	s29 =	sadd.s32 $0x80, s29;
	s30 =	sadd.s32 $0x40, s30;
	[tilespmem:v12+s19+$0x0] =	vst.idx.add.f32.msk $0xffff, v11  }
0x9b: {  	_ =	sdelay $0x3  }
0x9c: {  	[tilespmem:v4+s19+$0x0] =	vst.idx.add.f32.msk $0xffff, v7  }
0x9d: {  	v3 =	vld.idx.msk [tilespmem:v3+s20+$0x0], $0xffff  }
0x9e: {  	p0 =	seq.s32 s26, $0x13;
	v0 =	vld.idx.msk [tilespmem:v0+s20+$0x0], $0xffff  }
.Ltmp8:
0x9f: {  	_ = 	snop;
	(pc) =	sbr.rel @p0 .LBB2_20-.Ltmp8, $4  }
0xa0: {  	_ = 	snop  }
0xa1: {  	[tilespmem:v1+s21+$0x0] =	vst.idx.add.f32.msk $0xffff, v6  }
0xa2: {  	[tilespmem:v2+s21+$0x0] =	vst.idx.add.f32.msk $0xffff, v3  }
0xa3: {  	s28 =	sshll.u32 s26, $0xB;
	[tilespmem:v5+s21+$0x0] =	vst.idx.add.f32.msk $0xffff, v0  }
0xa4: {  	s29 =	sadd.s32 $0x800, s28  }
0xa5: {  	s31 =	simm.s32 $0x13C00;
	s30 =	sadd.s32 s1, s29  }
0xa6: {  	s2 =	simm.s32 $0x10;
	s0 =	simm.s32 $0x13D00;
	s10 =	sadd.s32 $0x0, s30  }
.LBB2_16:
0xa7: {  	[tilespmem:s31], [sflag:$0x1] =	stream.linear.gather [hbm4b:s10+s4], $0x80, $0x38;
	[tilespmem:$0x1BC00] =	vst v63  }
0xa8: {  	s10 =	smov.u32 s2;
	s31 =	smov.u32 s0;
	p1 =	sne.s32 s2, $0x3F0  }
.Ltmp9:
0xa9: {  	s2 =	sadd.s32 $0x10, s2;
	(pc) =	sbr.rel @p1 .LBB2_16-.Ltmp9, $2  }
0xaa: {  	_ =	sdelay $0x2  }
0xab: {  	s0 =	sadd.s32 $0x100, s0;
	s10 =	sadd.s32 s10, s30  }
0xac: {  	[tilespmem:s31], [sflag:$0x1] =	stream.linear.gather [hbm4b:s10+s4], $0x80, $0x38;
	[tilespmem:$0x1BC00] =	vst v63  }
0xad: {  	s29 =	sadd.s32 s3, s29;
	s30 =	simm.s32 $0x17C00  }
0xae: {  	s2 =	simm.s32 $0x10;
	s0 =	simm.s32 $0x17D00;
	s10 =	sadd.s32 $0x0, s29  }
.LBB2_18:
0xaf: {  	[tilespmem:s30], [sflag:$0x3] =	stream.linear.gather [hbm4b:s10+s4], $0x80, $0x38;
	[tilespmem:$0x1BC00] =	vst v63  }
0xb0: {  	s10 =	smov.u32 s2;
	s30 =	smov.u32 s0;
	p1 =	sne.s32 s2, $0x3F0  }
.Ltmp10:
0xb1: {  	s2 =	sadd.s32 $0x10, s2;
	(pc) =	sbr.rel @p1 .LBB2_18-.Ltmp10, $2  }
0xb2: {  	_ =	sdelay $0x2  }
0xb3: {  	s0 =	sadd.s32 $0x100, s0;
	s10 =	sadd.s32 s10, s29  }
0xb4: {  	[tilespmem:s30], [sflag:$0x3] =	stream.linear.gather [hbm4b:s10+s4], $0x80, $0x38;
	[tilespmem:$0x1BC00] =	vst v63  }
.LBB2_20:
0xb5: {  	_ =	swait.ge [sflag:s22], $0x2000  }
0xb6: {  	p1 =	por $0x0, $0x0;
	s0 =	simm.s32 $0x1;
	[sflag:s22] =	ssyncset.done $0x0  }
0xb7: {  	s0 =	simm.s32 @!p1 $0x0;
	[sflag:s22] =	ssyncadd.s32 $0xFFFFE000  }
0xb8: {  	s0 =	sshll.u32 s0, $0x6;
	_ =	swait.ge [sflag:s23], $0x2000  }
0xb9: {  	s0 =	sadd.s32 $0x0, s0;
	[sflag:s23] =	ssyncset.done $0x0  }
0xba: {  	s2 =	sor.u32 $0xB0, s0;
	[sflag:s23] =	ssyncadd.s32 $0xFFFFE000  }
0xbb: {  	s10 =	sor.u32 $0x80, s0;
	v1 =	vld [tilespmem:s2+$0x13C00]  }
0xbc: {  	s29 =	sor.u32 $0x90, s0;
	v2 =	vld [tilespmem:s10+$0x13C00]  }
0xbd: {  	s0 =	sor.u32 $0xA0, s0;
	v3 =	vld [tilespmem:s29+$0x13C00]  }
0xbe: {  	v6 =	vld [tilespmem:s0+$0x13C00]  }
0xbf: {  	p1 =	por !p1, !p1;
	v0 =	vld [tilespmem:s0+$0x17C00];
	s0 =	simm.s32 $0x1  }
0xc0: {  	s0 =	simm.s32 @!p1 $0x0  }
0xc1: {  	v4 =	vld [tilespmem:s2+$0x17C00];
	s0 =	sshll.u32 s0, $0x6  }
0xc2: {  	v7 =	vld [tilespmem:s10+$0x17C00];
	s0 =	sadd.s32 $0x80, s0  }
0xc3: {  	v8 =	vld [tilespmem:s29+$0x17C00];
	s31 =	sor.u32 $0x80, s0  }
0xc4: {  	v12 =	vld [tilespmem:s31+$0x13C00]  }
0xc5: {  	v5 =	vld.idx.msk [tilespmem:v1+s4+$0x0], $0xffff  }
0xc6: {  	v9 =	vld.idx.msk [tilespmem:v2+s4+$0x0], $0xffff  }
0xc7: {  	v10 =	vld.idx.msk [tilespmem:v3+s4+$0x0], $0xffff  }
0xc8: {  	s2 =	sor.u32 $0xB0, s0;
	v11 =	vld.idx.msk [tilespmem:v6+s4+$0x0], $0xffff  }
0xc9: {  	v13 =	vld [tilespmem:s2+$0x17C00]  }
0xca: {  	[tilespmem:v4+s15+$0x0] =	vst.idx.add.f32.msk $0xffff, v5  }
0xcb: {  	[tilespmem:v7+s15+$0x0] =	vst.idx.add.f32.msk $0xffff, v9  }
0xcc: {  	[tilespmem:v8+s15+$0x0] =	vst.idx.add.f32.msk $0xffff, v10  }
0xcd: {  	[tilespmem:v0+s15+$0x0] =	vst.idx.add.f32.msk $0xffff, v11  }
0xce: {  	v5 =	vld.idx.msk [tilespmem:v1+s16+$0x0], $0xffff  }
0xcf: {  	v9 =	vld.idx.msk [tilespmem:v2+s16+$0x0], $0xffff  }
0xd0: {  	v10 =	vld.idx.msk [tilespmem:v3+s16+$0x0], $0xffff  }
0xd1: {  	v15 =	vld.idx.msk [tilespmem:v12+s4+$0x0], $0xffff  }
0xd2: {  	v11 =	vld.idx.msk [tilespmem:v6+s16+$0x0], $0xffff  }
0xd3: {  	[tilespmem:v4+s17+$0x0] =	vst.idx.add.f32.msk $0xffff, v5  }
0xd4: {  	[tilespmem:v7+s17+$0x0] =	vst.idx.add.f32.msk $0xffff, v9  }
0xd5: {  	[tilespmem:v8+s17+$0x0] =	vst.idx.add.f32.msk $0xffff, v10  }
0xd6: {  	v5 =	vld.idx.msk [tilespmem:v1+s18+$0x0], $0xffff  }
0xd7: {  	[tilespmem:v0+s17+$0x0] =	vst.idx.add.f32.msk $0xffff, v11  }
0xd8: {  	v9 =	vld.idx.msk [tilespmem:v2+s18+$0x0], $0xffff  }
0xd9: {  	v10 =	vld.idx.msk [tilespmem:v6+s18+$0x0], $0xffff  }
0xda: {  	v11 =	vld [tilespmem:s2+$0x13C00]  }
0xdb: {  	[tilespmem:v4+s19+$0x0] =	vst.idx.add.f32.msk $0xffff, v5  }
0xdc: {  	v5 =	vld.idx.msk [tilespmem:v3+s18+$0x0], $0xffff  }
0xdd: {  	[tilespmem:v7+s19+$0x0] =	vst.idx.add.f32.msk $0xffff, v9  }
0xde: {  	[tilespmem:v0+s19+$0x0] =	vst.idx.add.f32.msk $0xffff, v10  }
0xdf: {  	v1 =	vld.idx.msk [tilespmem:v1+s20+$0x0], $0xffff  }
0xe0: {  	v9 =	vld.idx.msk [tilespmem:v2+s20+$0x0], $0xffff  }
0xe1: {  	v2 =	vld [tilespmem:s31+$0x17C00]  }
0xe2: {  	v6 =	vld.idx.msk [tilespmem:v6+s20+$0x0], $0xffff  }
0xe3: {  	v14 =	vld.idx.msk [tilespmem:v11+s4+$0x0], $0xffff  }
0xe4: {  	s29 =	sor.u32 $0x90, s0;
	s0 =	sor.u32 $0xA0, s0;
	[tilespmem:v8+s19+$0x0] =	vst.idx.add.f32.msk $0xffff, v5  }
0xe5: {  	v5 =	vld [tilespmem:s0+$0x17C00]  }
0xe6: {  	[tilespmem:v4+s21+$0x0] =	vst.idx.add.f32.msk $0xffff, v1  }
0xe7: {  	v10 =	vld.idx.msk [tilespmem:v3+s20+$0x0], $0xffff  }
0xe8: {  	v4 =	vld [tilespmem:s29+$0x13C00]  }
0xe9: {  	v3 =	vld [tilespmem:s0+$0x13C00]  }
0xea: {  	[tilespmem:v7+s21+$0x0] =	vst.idx.add.f32.msk $0xffff, v9  }
0xeb: {  	[tilespmem:v13+s15+$0x0] =	vst.idx.add.f32.msk $0xffff, v14  }
0xec: {  	v7 =	vld.idx.msk [tilespmem:v11+s16+$0x0], $0xffff  }
0xed: {  	v1 =	vld [tilespmem:s29+$0x17C00]  }
0xee: {  	[tilespmem:v2+s15+$0x0] =	vst.idx.add.f32.msk $0xffff, v15  }
0xef: {  	v9 =	vld.idx.msk [tilespmem:v12+s16+$0x0], $0xffff  }
0xf0: {  	[tilespmem:v8+s21+$0x0] =	vst.idx.add.f32.msk $0xffff, v10  }
0xf1: {  	[tilespmem:v13+s17+$0x0] =	vst.idx.add.f32.msk $0xffff, v7  }
0xf2: {  	v16 =	vld.idx.msk [tilespmem:v4+s4+$0x0], $0xffff  }
0xf3: {  	v17 =	vld.idx.msk [tilespmem:v3+s4+$0x0], $0xffff  }
0xf4: {  	v7 =	vld.idx.msk [tilespmem:v11+s18+$0x0], $0xffff  }
0xf5: {  	[tilespmem:v2+s17+$0x0] =	vst.idx.add.f32.msk $0xffff, v9  }
0xf6: {  	v10 =	vld.idx.msk [tilespmem:v12+s18+$0x0], $0xffff  }
0xf7: {  	[tilespmem:v1+s15+$0x0] =	vst.idx.add.f32.msk $0xffff, v16  }
0xf8: {  	[tilespmem:v5+s15+$0x0] =	vst.idx.add.f32.msk $0xffff, v17  }
0xf9: {  	[tilespmem:v13+s19+$0x0] =	vst.idx.add.f32.msk $0xffff, v7  }
0xfa: {  	v62 =	vld.idx.msk [tilespmem:v4+s16+$0x0], $0xffff  }
0xfb: {  	v63 =	vld.idx.msk [tilespmem:v3+s16+$0x0], $0xffff  }
0xfc: {  	v11 =	vld.idx.msk [tilespmem:v11+s20+$0x0], $0xffff  }
0xfd: {  	[tilespmem:v2+s19+$0x0] =	vst.idx.add.f32.msk $0xffff, v10  }
0xfe: {  	v7 =	vld.idx.msk [tilespmem:v12+s20+$0x0], $0xffff  }
0xff: {  	[tilespmem:v1+s17+$0x0] =	vst.idx.add.f32.msk $0xffff, v62  }
0x100: {  	[tilespmem:v5+s17+$0x0] =	vst.idx.add.f32.msk $0xffff, v63  }
0x101: {  	v9 =	vld.idx.msk [tilespmem:v4+s18+$0x0], $0xffff  }
0x102: {  	v8 =	vld.idx.msk [tilespmem:v3+s18+$0x0], $0xffff  }
0x103: {  	s30 =	simm.s32 $0x80;
	p1 =	por !p1, !p1;
	s29 =	simm.s32 $0x4;
	[tilespmem:v13+s21+$0x0] =	vst.idx.add.f32.msk $0xffff, v11  }
.LBB2_21:
0x104: {  	s0 =	simm.s32 $0x1  }
0x105: {  	s29 =	sadd.s32 $0x4, s29;
	[tilespmem:v0+s21+$0x0] =	vst.idx.add.f32.msk $0xffff, v6;
	v0 =	vmov v5;
	s0 =	simm.s32 @!p1 $0x0  }
0x106: {  	s30 =	sadd.s32 $0x80, s30;
	p2 =	slt.u32 s29, $0x1FC;
	s0 =	sshll.u32 s0, $0x6;
	[tilespmem:v1+s19+$0x0] =	vst.idx.add.f32.msk $0xffff, v9  }
0x107: {  	s0 =	sadd.s32 s0, s30;
	[tilespmem:v5+s19+$0x0] =	vst.idx.add.f32.msk $0xffff, v8  }
0x108: {  	s2 =	sor.u32 $0x80, s0;
	s10 =	sor.u32 $0x90, s0;
	s31 =	sor.u32 $0xB0, s0;
	v8 =	vld.idx.msk [tilespmem:v4+s20+$0x0], $0xffff  }
0x109: {  	s0 =	sor.u32 $0xA0, s0;
	v9 =	vld [tilespmem:s31+$0x13C00]  }
0x10a: {  	v10 =	vld [tilespmem:s2+$0x13C00]  }
0x10b: {  	v4 =	vld [tilespmem:s10+$0x13C00]  }
0x10c: {  	v11 =	vld [tilespmem:s0+$0x13C00]  }
0x10d: {  	v12 =	vld [tilespmem:s2+$0x17C00]  }
0x10e: {  	v13 =	vld [tilespmem:s10+$0x17C00]  }
0x10f: {  	v14 =	vld [tilespmem:s31+$0x17C00]  }
0x110: {  	v5 =	vld [tilespmem:s0+$0x17C00]  }
0x111: {  	v15 =	vld.idx.msk [tilespmem:v9+s4+$0x0], $0xffff  }
0x112: {  	v16 =	vld.idx.msk [tilespmem:v10+s4+$0x0], $0xffff  }
0x113: {  	v17 =	vld.idx.msk [tilespmem:v4+s4+$0x0], $0xffff  }
0x114: {  	v18 =	vld.idx.msk [tilespmem:v11+s4+$0x0], $0xffff  }
0x115: {  	v6 =	vld.idx.msk [tilespmem:v3+s20+$0x0], $0xffff;
	v3 =	vmov v11  }
0x116: {  	[tilespmem:v2+s21+$0x0] =	vst.idx.add.f32.msk $0xffff, v7;
	v2 =	vmov v12  }
0x117: {  	[tilespmem:v14+s15+$0x0] =	vst.idx.add.f32.msk $0xffff, v15  }
0x118: {  	v7 =	vld.idx.msk [tilespmem:v9+s16+$0x0], $0xffff  }
0x119: {  	[tilespmem:v12+s15+$0x0] =	vst.idx.add.f32.msk $0xffff, v16  }
0x11a: {  	[tilespmem:v13+s15+$0x0] =	vst.idx.add.f32.msk $0xffff, v17  }
0x11b: {  	[tilespmem:v5+s15+$0x0] =	vst.idx.add.f32.msk $0xffff, v18  }
0x11c: {  	v11 =	vld.idx.msk [tilespmem:v10+s16+$0x0], $0xffff  }
0x11d: {  	v12 =	vld.idx.msk [tilespmem:v4+s16+$0x0], $0xffff  }
0x11e: {  	[tilespmem:v14+s17+$0x0] =	vst.idx.add.f32.msk $0xffff, v7  }
0x11f: {  	v7 =	vld.idx.msk [tilespmem:v9+s18+$0x0], $0xffff  }
0x120: {  	v15 =	vld.idx.msk [tilespmem:v3+s16+$0x0], $0xffff  }
0x121: {  	[tilespmem:v1+s21+$0x0] =	vst.idx.add.f32.msk $0xffff, v8;
	v1 =	vmov v13  }
0x122: {  	[tilespmem:v2+s17+$0x0] =	vst.idx.add.f32.msk $0xffff, v11  }
0x123: {  	[tilespmem:v13+s17+$0x0] =	vst.idx.add.f32.msk $0xffff, v12  }
0x124: {  	v11 =	vld.idx.msk [tilespmem:v10+s18+$0x0], $0xffff  }
0x125: {  	[tilespmem:v14+s19+$0x0] =	vst.idx.add.f32.msk $0xffff, v7  }
0x126: {  	v12 =	vld.idx.msk [tilespmem:v9+s20+$0x0], $0xffff  }
0x127: {  	[tilespmem:v5+s17+$0x0] =	vst.idx.add.f32.msk $0xffff, v15  }
.Ltmp11:
0x128: {  	v9 =	vld.idx.msk [tilespmem:v4+s18+$0x0], $0xffff;
	(pc) =	sbr.rel @p2 .LBB2_21-.Ltmp11, $4  }
0x129: {  	v8 =	vld.idx.msk [tilespmem:v3+s18+$0x0], $0xffff  }
0x12a: {  	[tilespmem:v2+s19+$0x0] =	vst.idx.add.f32.msk $0xffff, v11  }
0x12b: {  	v7 =	vld.idx.msk [tilespmem:v10+s20+$0x0], $0xffff  }
0x12c: {  	p1 =	por !p1, !p1;
	[tilespmem:v14+s21+$0x0] =	vst.idx.add.f32.msk $0xffff, v12  }
0x12d: {  	_ =	sdelay $0x3  }
0x12e: {  	[tilespmem:v1+s19+$0x0] =	vst.idx.add.f32.msk $0xffff, v9  }
0x12f: {  	[tilespmem:v5+s19+$0x0] =	vst.idx.add.f32.msk $0xffff, v8  }
0x130: {  	v4 =	vld.idx.msk [tilespmem:v4+s20+$0x0], $0xffff  }
0x131: {  	v3 =	vld.idx.msk [tilespmem:v3+s20+$0x0], $0xffff  }
.Ltmp12:
0x132: {  	_ = 	snop;
	(pc) =	sbr.rel @p0 .LBB2_28-.Ltmp12, $4  }
0x133: {  	[tilespmem:v0+s21+$0x0] =	vst.idx.add.f32.msk $0xffff, v6  }
0x134: {  	[tilespmem:v2+s21+$0x0] =	vst.idx.add.f32.msk $0xffff, v7  }
0x135: {  	[tilespmem:v1+s21+$0x0] =	vst.idx.add.f32.msk $0xffff, v4  }
0x136: {  	[tilespmem:v5+s21+$0x0] =	vst.idx.add.f32.msk $0xffff, v3  }
0x137: {  	s28 =	sadd.s32 $0xC00, s28  }
0x138: {  	s30 =	simm.s32 $0x13C80;
	s29 =	sadd.s32 s1, s28  }
0x139: {  	s2 =	simm.s32 $0x10;
	s0 =	simm.s32 $0x13D80;
	s10 =	sadd.s32 $0x0, s29  }
.LBB2_24:
0x13a: {  	[tilespmem:s30], [sflag:$0x2] =	stream.linear.gather [hbm4b:s10+s4], $0x80, $0x38;
	[tilespmem:$0x1BC00] =	vst v63  }
0x13b: {  	s10 =	smov.u32 s2;
	s30 =	smov.u32 s0;
	p0 =	sne.s32 s2, $0x3F0  }
.Ltmp13:
0x13c: {  	s2 =	sadd.s32 $0x10, s2;
	(pc) =	sbr.rel @p0 .LBB2_24-.Ltmp13, $2  }
0x13d: {  	_ =	sdelay $0x2  }
0x13e: {  	s0 =	sadd.s32 $0x100, s0;
	s10 =	sadd.s32 s10, s29  }
0x13f: {  	[tilespmem:s30], [sflag:$0x2] =	stream.linear.gather [hbm4b:s10+s4], $0x80, $0x38;
	[tilespmem:$0x1BC00] =	vst v63  }
0x140: {  	s28 =	sadd.s32 s3, s28;
	s29 =	simm.s32 $0x17C80  }
0x141: {  	s2 =	simm.s32 $0x10;
	s0 =	simm.s32 $0x17D80;
	s10 =	sadd.s32 $0x0, s28  }
.LBB2_26:
0x142: {  	[tilespmem:s29], [sflag:$0x4] =	stream.linear.gather [hbm4b:s10+s4], $0x80, $0x38;
	[tilespmem:$0x1BC00] =	vst v63  }
0x143: {  	s10 =	smov.u32 s2;
	s29 =	smov.u32 s0;
	p0 =	sne.s32 s2, $0x3F0  }
.Ltmp14:
0x144: {  	s2 =	sadd.s32 $0x10, s2;
	(pc) =	sbr.rel @p0 .LBB2_26-.Ltmp14, $2  }
0x145: {  	_ =	sdelay $0x2  }
0x146: {  	s0 =	sadd.s32 $0x100, s0;
	s10 =	sadd.s32 s10, s28  }
.Ltmp15:
0x147: {  	(pc) =	sbr.rel .LBB2_12-.Ltmp15, $3  }
0x148: {  	_ =	sdelay $0x1  }
0x149: {  	[tilespmem:s29], [sflag:$0x4] =	stream.linear.gather [hbm4b:s10+s4], $0x80, $0x38;
	[tilespmem:$0x1BC00] =	vst v63  }
0x14a: {  	s26 =	sadd.s32 $0x1, s26  }
.LBB2_29:
0x14b: {  	_ =	sfence.sel $0x180000  }
0x14c: {  	[bflag:$0x0] =	sbarrier.arrive $0xFFFF  }
0x14d: {  	_ =	strace $0x90000047  }
0x14e: {  	s0 =	stileid.u32;
	[bflag:$0x2] =	sbarrier.arrive $0xFFFF  }
0x14f: {  	p0 =	sne.s32 s0, $0x0;
	s0 =	rddreg [dreg:$0x4]  }
0x150: {  	s0 =	sadd.s32 @!p0 $0x100000, s0  }
0x151: {  	[sflag:s0] =	ssyncadd.tile.s32 @!p0 $0x1;
	_ =	shalt  }
.Lfunc_end2:
_tile_overlayer_lowered:
.L_overlay_start_2:
0x152: {  	(tag) =	ssettag $0x2  }
0x153: {  	s0 =	rddreg [dreg:$0x0];
	s2 =	stileid.u32  }
0x154: {  	s1 =	rddreg [dreg:$0x1];
	p0 =	sne.s32 s2, $0x0  }
0x155: {  	s3 =	rddreg [dreg:$0x2];
	[bflag:$0x3] =	sbarrier.arrive $0xFFFF;
	s2 =	simm.s32 @!p0 $0x1C05  }
0x156: {  	[timem:s3], [sflag:s2] =	dma.local @!p0 [hbm:s0], s1  }
0x157: {  	s0 =	simm.s32 @!p0 $0x5  }
0x158: {  	_ =	swait.ge @!p0 [sflag:s0], s1  }
0x159: {  	s1 =	ssub.s32 @!p0 $0x0, s1;
	[sflag:s0] =	ssyncset.done @!p0 $0x0  }
0x15a: {  	[sflag:s0] =	ssyncadd.s32 @!p0 s1  }
0x15b: {  	[bflag:$0x3] =	sbarrier.arrive $0xFFFF  }
0x15c: {  	_ =	shalt  }

</sc_bundles>
